<compile_context>
chip_gen: v7x
topology: tpu7x:2x2x1
jax: 0.10.2.dev20260603
libtpu: 0.0.44.dev20260713+nightly
codegen_flags: <defaults>
</compile_context>

<pallas_src>
import jax
import jax.numpy as jnp
from jax import lax
from jax.experimental import pallas as pl
from jax.experimental.pallas import tpu as pltpu
from jax.experimental.pallas import tpu_sc as plsc

N = 320000
D = 128
H = 64
S = 10000


ROW_BLK = 16000
N_BLKS = N // (2 * ROW_BLK)


def _sp_contract(x, w1, b1, w2):
    h = jnp.dot(x, w1, preferred_element_type=jnp.float32)
    h = h + b1
    e = jnp.exp(-jnp.abs(h))
    h = jnp.maximum(h, 0.0) + (jnp.log(1.0 + e) - jnp.log(2.0))
    return lax.dot_general(w2, h, (((1,), (1,)), ((), ())),
                           preferred_element_type=jnp.float32)


def _mlp_body(x0_ref, w1_ref, b1_ref, w2_ref, b2_ref, out_ref):
    w1 = w1_ref[...]
    b1 = b1_ref[...]
    w2 = w2_ref[...]
    b2 = b2_ref[...]
    out_ref[...] = _sp_contract(x0_ref[...], w1, b1, w2) + b2


def _atom_mlp(representation, W1, b1, W2, b2):
    return pl.pallas_call(
        _mlp_body,
        grid=(N_BLKS,),
        in_specs=[
            pl.BlockSpec((2 * ROW_BLK, D), lambda i: (i, 0)),
            pl.BlockSpec((D, H), lambda i: (0, 0)),
            pl.BlockSpec((1, H), lambda i: (0, 0)),
            pl.BlockSpec((1, H), lambda i: (0, 0)),
            pl.BlockSpec((1, 1), lambda i: (0, 0)),
        ],
        out_specs=pl.BlockSpec((1, 2 * ROW_BLK), lambda i: (0, i)),
        out_shape=jax.ShapeDtypeStruct((1, N), jnp.float32),
    )(representation, W1, b1.reshape(1, H),
      W2.reshape(1, H), b2.reshape(1, 1))



L = 16
NSUB = 16
CHUNK = N // NSUB
NVEC = CHUNK // L
SPAD = 10240
OWN = SPAD // NSUB


def _segsum_body(yi_hbm, ids_hbm, out_hbm, vals_v, ids_v, yloc_v, acc_v,
                 tmp_v, shared, sem_a, sem_b):
    sid = lax.axis_index("s")
    base = sid * CHUNK

    cp_a = pltpu.async_copy(
        yi_hbm.at[pl.ds(base, CHUNK)], vals_v.at[pl.ds(0, CHUNK)], sem_a)
    cp_b = pltpu.async_copy(
        ids_hbm.at[pl.ds(base, CHUNK)], ids_v.at[pl.ds(0, CHUNK)], sem_b)

    zeros = jnp.zeros((L,), jnp.float32)

    @plsc.parallel_loop(0, SPAD // L, unroll=8)
    def _(i):
        yloc_v[pl.ds(i * L, L)] = zeros

    cp_a.wait()
    cp_b.wait()
    ids_v[pl.ds(CHUNK, L)] = jnp.zeros((L,), jnp.int32)

    lane = lax.iota(jnp.int32, L)
    last_lane = lane == (L - 1)

    @plsc.parallel_loop(0, NVEC, unroll=4)
    def _(k):
        off = k * L
        x = vals_v[pl.ds(off, L)]
        a = ids_v[pl.ds(off, L)]
        an = ids_v[pl.ds(off + 1, L)]
        c = plsc.cumsum(x)
        isb = a != an
        m1 = isb | last_lane
        m2 = isb & jnp.logical_not(last_lane)
        plsc.addupdate_scatter(yloc_v, [a], c, mask=m1)
        plsc.addupdate_scatter(yloc_v, [an], -c, mask=m2)

    pltpu.sync_copy(yloc_v, shared.at[sid])
    plsc.subcore_barrier()

    pltpu.sync_copy(shared.at[:, pl.ds(sid * OWN, OWN)], tmp_v)

    @plsc.parallel_loop(0, OWN // L, unroll=4)
    def _(i):
        s = tmp_v[0, pl.ds(i * L, L)]
        for t in range(1, NSUB):
            s = s + tmp_v[t, pl.ds(i * L, L)]
        acc_v[pl.ds(i * L, L)] = s

    pltpu.sync_copy(acc_v, out_hbm.at[pl.ds(sid * OWN, OWN)])


def _segment_sum(yi_flat, batch):
    mesh = plsc.VectorSubcoreMesh(
        core_axis_name="c", subcore_axis_name="s", num_cores=1)
    seg = pl.kernel(
        _segsum_body,
        out_type=jax.ShapeDtypeStruct((SPAD,), jnp.float32),
        mesh=mesh,
        scratch_types=[
            pltpu.VMEM((CHUNK,), jnp.float32),
            pltpu.VMEM((CHUNK + L,), jnp.int32),
            pltpu.VMEM((SPAD,), jnp.float32),
            pltpu.VMEM((OWN,), jnp.float32),
            pltpu.VMEM((NSUB, OWN), jnp.float32),
            pltpu.VMEM_SHARED((NSUB, SPAD), jnp.float32),
            pltpu.SemaphoreType.DMA,
            pltpu.SemaphoreType.DMA,
        ],
        compiler_params=pltpu.CompilerParams(needs_layout_passes=False),
    )
    return seg(yi_flat, batch)


def kernel(representation, z, batch, W1, b1, W2, b2):
    yi = _atom_mlp(representation, W1, b1, W2, b2)
    y = _segment_sum(yi.reshape(N), batch)
    return y[:S].reshape(S, 1)

# --- scband reference (transcript-rebuilt; emitter-appended) ---
"""Pipeline reference for scband-atomwise-v3-88270167868085 (READ-ONLY COPY).

The authoritative reference and input builder live on the scoring server;
editing this copy changes nothing except your own understanding.
"""

import jax, jax.numpy as jnp
import numpy as np

N = 320000   # atoms (rows)
D = 128      # n_in
H = 64       # n_hidden
S = 10000    # number of molecules / segments
MEAN = 0.0
STDDEV = 1.0


def shifted_softplus(x):
    # F.softplus(x) - log(2)
    return jnp.logaddexp(x, 0.0) - jnp.log(2.0)


def setup_inputs(seed: int = 0) -> dict:
    key = jax.random.key(seed)
    k1, k2, k3, k4, k5 = jax.random.split(key, 5)
    representation = jax.random.normal(k1, (N, D), dtype=jnp.float32)
    z = jax.random.randint(k2, (N,), 0, 100, dtype=jnp.int32)  # atomic numbers (unused: atomref=None)
    batch = jnp.sort(jax.random.randint(k3, (N,), 0, S, dtype=jnp.int32))  # sorted segment ids
    # SchnetMLP params: Linear(D->H) + shifted_softplus, Linear(H->1)
    W1 = jax.random.normal(k4, (D, H), dtype=jnp.float32) * (1.0 / np.sqrt(D))
    b1 = jnp.zeros((H,), dtype=jnp.float32)
    W2 = jax.random.normal(k5, (H, 1), dtype=jnp.float32) * (1.0 / np.sqrt(H))
    b2 = jnp.zeros((1,), dtype=jnp.float32)
    return {"representation": representation, "z": z, "batch": batch,
            "W1": W1, "b1": b1, "W2": W2, "b2": b2}


def reference(representation, z, batch, W1, b1, W2, b2):
    # out_net: GetItem('representation') -> SchnetMLP(n_in=128, n_out=1, n_hidden=64, n_layers=2)
    h = shifted_softplus(representation @ W1 + b1)
    yi = h @ W2 + b2                      # per-atom contributions [N, 1]
    yi = yi * STDDEV                      # yi = yi * self.stddev
    # atomref is None -> no y0 added
    # aggregation_mode='sum': torch_scatter.scatter(yi, batch, dim=0, reduce='sum')
    y = jax.ops.segment_sum(yi, batch, num_segments=S)
    y = y + MEAN                          # y = y + self.mean
    # result = {'y': y}; derivative/contributions disabled -> return y
    return y

if __name__ == "__main__":
    import jax
    _d = setup_inputs()
    print(jax.jit(kernel)(*tuple(_d.values())))

</pallas_src>

<mosaic_0001>
#map = affine_map<(d0, d1) -> (0)>
module attributes {stable_mosaic.version = 14 : i64} {
  func.func @_segsum_body(%arg0: i32, %arg1: i32, %arg2: memref<320000xf32, #tpu.memory_space<hbm>>, %arg3: memref<320000xi32, #tpu.memory_space<hbm>>, %arg4: memref<10240xf32, #tpu.memory_space<hbm>>, %arg5: memref<20000xf32, #tpu.memory_space<vmem>>, %arg6: memref<20016xi32, #tpu.memory_space<vmem>>, %arg7: memref<10240xf32, #tpu.memory_space<vmem>>, %arg8: memref<640xf32, #tpu.memory_space<vmem>>, %arg9: memref<16x640xf32, #tpu.memory_space<vmem>>, %arg10: memref<16x10240xf32, #tpu.memory_space<vmem_shared>>, %arg11: memref<!tpu.dma_semaphore, #tpu.memory_space<semaphore_mem>>, %arg12: memref<!tpu.dma_semaphore, #tpu.memory_space<semaphore_mem>>) attributes {dimension_semantics = [#tpu.dimension_semantics<core_parallel>, #tpu.dimension_semantics<subcore_parallel>], iteration_bounds = array<i64: 1, 16>, scalar_prefetch = 0 : i64, scratch_operands = 8 : i64, tpu.core_type = #tpu.core_type<sc_vector_subcore>, window_params = [{transform_indices = #map}, {transform_indices = #map}, {transform_indices = #map}]} {
    %mul3A = arith.constant 20000 : i32
    %mul3A_0 = arith.muli %arg1, %mul3A : i32
    %dma_start3A = arith.constant 0 : i32
    %dma_start3A_1 = tpu.memref_slice %arg5[%dma_start3A] : memref<20000xf32, #tpu.memory_space<vmem>> -> memref<20000xf32, #tpu.memory_space<vmem>>
    %dma_start3A_2 = tpu.memref_slice %arg2[%mul3A_0] : memref<320000xf32, #tpu.memory_space<hbm>> -> memref<20000xf32, #tpu.memory_space<hbm>>
    %dma_start3A_3 = arith.constant 0 : i32
    %dma_start3A_4 = tpu.memref_slice %arg5[%dma_start3A_3] : memref<20000xf32, #tpu.memory_space<vmem>> -> memref<20000xf32, #tpu.memory_space<vmem>>
    %dma_start3A_5 = tpu.memref_slice %arg2[%mul3A_0] : memref<320000xf32, #tpu.memory_space<hbm>> -> memref<20000xf32, #tpu.memory_space<hbm>>
    tpu.enqueue_dma source(%dma_start3A_5 : memref<20000xf32, #tpu.memory_space<hbm>>) target(%dma_start3A_4 : memref<20000xf32, #tpu.memory_space<vmem>>) target_semaphore(%arg11 : memref<!tpu.dma_semaphore, #tpu.memory_space<semaphore_mem>>)
    %dma_start3A_6 = arith.constant 0 : i32
    %dma_start3A_7 = tpu.memref_slice %arg6[%dma_start3A_6] : memref<20016xi32, #tpu.memory_space<vmem>> -> memref<20000xi32, #tpu.memory_space<vmem>>
    %dma_start3A_8 = tpu.memref_slice %arg3[%mul3A_0] : memref<320000xi32, #tpu.memory_space<hbm>> -> memref<20000xi32, #tpu.memory_space<hbm>>
    %dma_start3A_9 = arith.constant 0 : i32
    %dma_start3A_10 = tpu.memref_slice %arg6[%dma_start3A_9] : memref<20016xi32, #tpu.memory_space<vmem>> -> memref<20000xi32, #tpu.memory_space<vmem>>
    %dma_start3A_11 = tpu.memref_slice %arg3[%mul3A_0] : memref<320000xi32, #tpu.memory_space<hbm>> -> memref<20000xi32, #tpu.memory_space<hbm>>
    tpu.enqueue_dma source(%dma_start3A_11 : memref<20000xi32, #tpu.memory_space<hbm>>) target(%dma_start3A_10 : memref<20000xi32, #tpu.memory_space<vmem>>) target_semaphore(%arg12 : memref<!tpu.dma_semaphore, #tpu.memory_space<semaphore_mem>>)
    %broadcast_in_dim3A = arith.constant 0.000000e+00 : f32
    %broadcast_in_dim3A_12 = vector.broadcast %broadcast_in_dim3A : f32 to vector<16xf32>
    %parallel_loop3A = arith.constant 0 : i32
    %parallel_loop3A_13 = arith.constant 640 : i32
    %parallel_loop3A_14 = arith.constant 1 : i32
    scf.for %parallel_loop3A_41 = %parallel_loop3A to %parallel_loop3A_13 step %parallel_loop3A_14  : i32 {
      %parallel_loop3A_42 = arith.constant 16 : i32
      %parallel_loop3A_43 = arith.muli %parallel_loop3A_41, %parallel_loop3A_42 : i32
      %parallel_loop3A_44 = arith.index_cast %parallel_loop3A_43 : i32 to index
      %parallel_loop3A_45 = tpu.vector_load %arg7[%parallel_loop3A_44] {strides = array<i32>} : memref<10240xf32, #tpu.memory_space<vmem>>, vector<16xf32>,
      tpu.vector_store %arg7[%parallel_loop3A_44], %broadcast_in_dim3A_12 {strides = array<i32>} : memref<10240xf32, #tpu.memory_space<vmem>>, vector<16xf32>,
    } {sc.loop_unroll_factor = 8 : i64, sc.parallel_access}
    %dma_wait3A = arith.constant 0 : i32
    %dma_wait3A_15 = tpu.memref_slice %arg5[%dma_wait3A] : memref<20000xf32, #tpu.memory_space<vmem>> -> memref<20000xf32, #tpu.memory_space<vmem>>
    %dma_wait3A_16 = tpu.memref_slice %arg2[%mul3A_0] : memref<320000xf32, #tpu.memory_space<hbm>> -> memref<20000xf32, #tpu.memory_space<hbm>>
    %dma_wait3A_17 = arith.constant 0 : i32
    %dma_wait3A_18 = tpu.memref_slice %arg5[%dma_wait3A_17] : memref<20000xf32, #tpu.memory_space<vmem>> -> memref<20000xf32, #tpu.memory_space<vmem>>
    %dma_wait3A_19 = tpu.memref_slice %arg2[%mul3A_0] : memref<320000xf32, #tpu.memory_space<hbm>> -> memref<20000xf32, #tpu.memory_space<hbm>>
    tpu.wait_dma2 semaphore(%arg11 : memref<!tpu.dma_semaphore, #tpu.memory_space<semaphore_mem>>) src(%dma_wait3A_19 : memref<20000xf32, #tpu.memory_space<hbm>>) dst(%dma_wait3A_18 : memref<20000xf32, #tpu.memory_space<vmem>>)
    %dma_wait3A_20 = arith.constant 0 : i32
    %dma_wait3A_21 = tpu.memref_slice %arg6[%dma_wait3A_20] : memref<20016xi32, #tpu.memory_space<vmem>> -> memref<20000xi32, #tpu.memory_space<vmem>>
    %dma_wait3A_22 = tpu.memref_slice %arg3[%mul3A_0] : memref<320000xi32, #tpu.memory_space<hbm>> -> memref<20000xi32, #tpu.memory_space<hbm>>
    %dma_wait3A_23 = arith.constant 0 : i32
    %dma_wait3A_24 = tpu.memref_slice %arg6[%dma_wait3A_23] : memref<20016xi32, #tpu.memory_space<vmem>> -> memref<20000xi32, #tpu.memory_space<vmem>>
    %dma_wait3A_25 = tpu.memref_slice %arg3[%mul3A_0] : memref<320000xi32, #tpu.memory_space<hbm>> -> memref<20000xi32, #tpu.memory_space<hbm>>
    tpu.wait_dma2 semaphore(%arg12 : memref<!tpu.dma_semaphore, #tpu.memory_space<semaphore_mem>>) src(%dma_wait3A_25 : memref<20000xi32, #tpu.memory_space<hbm>>) dst(%dma_wait3A_24 : memref<20000xi32, #tpu.memory_space<vmem>>)
    %broadcast_in_dim3A_26 = arith.constant 0 : i32
    %broadcast_in_dim3A_27 = vector.broadcast %broadcast_in_dim3A_26 : i32 to vector<16xi32>
    %swap3A = arith.constant 20000 : index
    %swap3A_28 = tpu.vector_load %arg6[%swap3A] {strides = array<i32>} : memref<20016xi32, #tpu.memory_space<vmem>>, vector<16xi32>,
    tpu.vector_store %arg6[%swap3A], %broadcast_in_dim3A_27 {strides = array<i32>} : memref<20016xi32, #tpu.memory_space<vmem>>, vector<16xi32>,
    %iota3A = tpu.iota {dimensions = array<i32: 0>} : vector<16xi32>
    %eq3A = arith.constant 15 : i32
    %eq3A_29 = vector.broadcast %eq3A : i32 to vector<16xi32>
    %eq3A_30 = arith.cmpi eq, %iota3A, %eq3A_29 : vector<16xi32>
    %parallel_loop3A_31 = arith.constant 0 : i32
    %parallel_loop3A_32 = arith.constant 1250 : i32
    %parallel_loop3A_33 = arith.constant 1 : i32
    scf.for %parallel_loop3A_41 = %parallel_loop3A_31 to %parallel_loop3A_32 step %parallel_loop3A_33  : i32 {
      %parallel_loop3A_42 = arith.constant 16 : i32
      %parallel_loop3A_43 = arith.muli %parallel_loop3A_41, %parallel_loop3A_42 : i32
      %parallel_loop3A_44 = arith.index_cast %parallel_loop3A_43 : i32 to index
      %parallel_loop3A_45 = tpu.vector_load %arg5[%parallel_loop3A_44] {strides = array<i32>} : memref<20000xf32, #tpu.memory_space<vmem>>, vector<16xf32>,
      %parallel_loop3A_46 = arith.index_cast %parallel_loop3A_43 : i32 to index
      %parallel_loop3A_47 = tpu.vector_load %arg6[%parallel_loop3A_46] {strides = array<i32>} : memref<20016xi32, #tpu.memory_space<vmem>>, vector<16xi32>,
      %parallel_loop3A_48 = arith.constant 1 : i32
      %parallel_loop3A_49 = arith.addi %parallel_loop3A_43, %parallel_loop3A_48 : i32
      %parallel_loop3A_50 = arith.index_cast %parallel_loop3A_49 : i32 to index
      %parallel_loop3A_51 = tpu.vector_load %arg6[%parallel_loop3A_50] {strides = array<i32>} : memref<20016xi32, #tpu.memory_space<vmem>>, vector<16xi32>,
      %parallel_loop3A_52 = arith.constant true
      %parallel_loop3A_53 = vector.broadcast %parallel_loop3A_52 : i1 to vector<16xi1>
      %parallel_loop3A_54 = tpu.scan <sum>, %parallel_loop3A_45 masked %parallel_loop3A_53 : vector<16xf32>, vector<16xi1> -> vector<16xf32>
      %parallel_loop3A_55 = arith.cmpi ne, %parallel_loop3A_47, %parallel_loop3A_51 : vector<16xi32>
      %parallel_loop3A_56 = arith.ori %parallel_loop3A_55, %eq3A_30 : vector<16xi1>
      %parallel_loop3A_57 = arith.constant dense<true> : vector<16xi1>
      %parallel_loop3A_58 = arith.xori %eq3A_30, %parallel_loop3A_57 : vector<16xi1>
      %parallel_loop3A_59 = arith.andi %parallel_loop3A_55, %parallel_loop3A_58 : vector<16xi1>
      tpu.vector_store_idx %arg7[%parallel_loop3A_47], %parallel_loop3A_54 masked %parallel_loop3A_56 {add = true} : memref<10240xf32, #tpu.memory_space<vmem>>[vector<16xi32>], vector<16xf32>, vector<16xi1>
      %parallel_loop3A_60 = arith.constant 0.000000e+00 : f32
      %parallel_loop3A_61 = vector.broadcast %parallel_loop3A_60 : f32 to vector<16xf32>
      %parallel_loop3A_62 = arith.subf %parallel_loop3A_61, %parallel_loop3A_54 : vector<16xf32>
      tpu.vector_store_idx %arg7[%parallel_loop3A_51], %parallel_loop3A_62 masked %parallel_loop3A_59 {add = true} : memref<10240xf32, #tpu.memory_space<vmem>>[vector<16xi32>], vector<16xf32>, vector<16xi1>
    } {sc.loop_unroll_factor = 4 : i64, sc.parallel_access}
    "tpu.region"() ({
      %run_scoped3A = tpu.sem_alloc : memref<!tpu.dma_semaphore, #tpu.memory_space<semaphore_mem>>
      %dma_start3A_41 = arith.constant 0 : i32
      %dma_start3A_42 = tpu.memref_slice %arg10[%arg1, %dma_start3A_41] : memref<16x10240xf32, #tpu.memory_space<vmem_shared>> -> memref<1x10240xf32, #tpu.memory_space<vmem_shared>>
      %dma_start3A_43 = tpu.memref_squeeze %dma_start3A_42 : memref<1x10240xf32, #tpu.memory_space<vmem_shared>> -> memref<10240xf32, #tpu.memory_space<vmem_shared>>
      %dma_start3A_44 = arith.constant 0 : i32
      %dma_start3A_45 = tpu.memref_slice %arg10[%arg1, %dma_start3A_44] : memref<16x10240xf32, #tpu.memory_space<vmem_shared>> -> memref<1x10240xf32, #tpu.memory_space<vmem_shared>>
      %dma_start3A_46 = tpu.memref_squeeze %dma_start3A_45 : memref<1x10240xf32, #tpu.memory_space<vmem_shared>> -> memref<10240xf32, #tpu.memory_space<vmem_shared>>
      tpu.enqueue_dma source(%arg7 : memref<10240xf32, #tpu.memory_space<vmem>>) target(%dma_start3A_46 : memref<10240xf32, #tpu.memory_space<vmem_shared>>) target_semaphore(%run_scoped3A : memref<!tpu.dma_semaphore, #tpu.memory_space<semaphore_mem>>)
      %dma_wait3A_47 = arith.constant 0 : i32
      %dma_wait3A_48 = tpu.memref_slice %arg10[%arg1, %dma_wait3A_47] : memref<16x10240xf32, #tpu.memory_space<vmem_shared>> -> memref<1x10240xf32, #tpu.memory_space<vmem_shared>>
      %dma_wait3A_49 = tpu.memref_squeeze %dma_wait3A_48 : memref<1x10240xf32, #tpu.memory_space<vmem_shared>> -> memref<10240xf32, #tpu.memory_space<vmem_shared>>
      %dma_wait3A_50 = arith.constant 0 : i32
      %dma_wait3A_51 = tpu.memref_slice %arg10[%arg1, %dma_wait3A_50] : memref<16x10240xf32, #tpu.memory_space<vmem_shared>> -> memref<1x10240xf32, #tpu.memory_space<vmem_shared>>
      %dma_wait3A_52 = tpu.memref_squeeze %dma_wait3A_51 : memref<1x10240xf32, #tpu.memory_space<vmem_shared>> -> memref<10240xf32, #tpu.memory_space<vmem_shared>>
      tpu.wait_dma2 semaphore(%run_scoped3A : memref<!tpu.dma_semaphore, #tpu.memory_space<semaphore_mem>>) src(%arg7 : memref<10240xf32, #tpu.memory_space<vmem>>) dst(%dma_wait3A_52 : memref<10240xf32, #tpu.memory_space<vmem_shared>>)
      tpu.yield
    }) : () -> ()
    %barrier3A = arith.constant 0 : index
    tpu.barrier barrier_id(%barrier3A)
    %mul3A_34 = arith.constant 640 : i32
    %mul3A_35 = arith.muli %arg1, %mul3A_34 : i32
    "tpu.region"() ({
      %run_scoped3A = tpu.sem_alloc : memref<!tpu.dma_semaphore, #tpu.memory_space<semaphore_mem>>
      %dma_start3A_41 = arith.constant 0 : i32
      %dma_start3A_42 = tpu.memref_slice %arg10[%dma_start3A_41, %mul3A_35] : memref<16x10240xf32, #tpu.memory_space<vmem_shared>> -> memref<16x640xf32, #tpu.memory_space<vmem_shared>>
      %dma_start3A_43 = arith.constant 0 : i32
      %dma_start3A_44 = tpu.memref_slice %arg10[%dma_start3A_43, %mul3A_35] : memref<16x10240xf32, #tpu.memory_space<vmem_shared>> -> memref<16x640xf32, #tpu.memory_space<vmem_shared>>
      tpu.enqueue_dma source(%dma_start3A_44 : memref<16x640xf32, #tpu.memory_space<vmem_shared>>) target(%arg9 : memref<16x640xf32, #tpu.memory_space<vmem>>) target_semaphore(%run_scoped3A : memref<!tpu.dma_semaphore, #tpu.memory_space<semaphore_mem>>)
      %dma_wait3A_45 = arith.constant 0 : i32
      %dma_wait3A_46 = tpu.memref_slice %arg10[%dma_wait3A_45, %mul3A_35] : memref<16x10240xf32, #tpu.memory_space<vmem_shared>> -> memref<16x640xf32, #tpu.memory_space<vmem_shared>>
      %dma_wait3A_47 = arith.constant 0 : i32
      %dma_wait3A_48 = tpu.memref_slice %arg10[%dma_wait3A_47, %mul3A_35] : memref<16x10240xf32, #tpu.memory_space<vmem_shared>> -> memref<16x640xf32, #tpu.memory_space<vmem_shared>>
      tpu.wait_dma2 semaphore(%run_scoped3A : memref<!tpu.dma_semaphore, #tpu.memory_space<semaphore_mem>>) src(%dma_wait3A_48 : memref<16x640xf32, #tpu.memory_space<vmem_shared>>) dst(%arg9 : memref<16x640xf32, #tpu.memory_space<vmem>>)
      tpu.yield
    }) : () -> ()
    %parallel_loop3A_36 = arith.constant 0 : i32
    %parallel_loop3A_37 = arith.constant 40 : i32
    %parallel_loop3A_38 = arith.constant 1 : i32
    scf.for %parallel_loop3A_41 = %parallel_loop3A_36 to %parallel_loop3A_37 step %parallel_loop3A_38  : i32 {
      %parallel_loop3A_42 = arith.constant 16 : i32
      %parallel_loop3A_43 = arith.muli %parallel_loop3A_41, %parallel_loop3A_42 : i32
      %parallel_loop3A_44 = arith.constant 0 : i32
      %parallel_loop3A_45 = arith.index_cast %parallel_loop3A_44 : i32 to index
      %parallel_loop3A_46 = arith.index_cast %parallel_loop3A_43 : i32 to index
      %parallel_loop3A_47 = tpu.vector_load %arg9[%parallel_loop3A_45, %parallel_loop3A_46] {strides = array<i32>} : memref<16x640xf32, #tpu.memory_space<vmem>>, vector<16xf32>,
      %parallel_loop3A_48 = arith.constant 16 : i32
      %parallel_loop3A_49 = arith.muli %parallel_loop3A_41, %parallel_loop3A_48 : i32
      %parallel_loop3A_50 = arith.constant 1 : i32
      %parallel_loop3A_51 = arith.index_cast %parallel_loop3A_50 : i32 to index
      %parallel_loop3A_52 = arith.index_cast %parallel_loop3A_49 : i32 to index
      %parallel_loop3A_53 = tpu.vector_load %arg9[%parallel_loop3A_51, %parallel_loop3A_52] {strides = array<i32>} : memref<16x640xf32, #tpu.memory_space<vmem>>, vector<16xf32>,
      %parallel_loop3A_54 = arith.addf %parallel_loop3A_47, %parallel_loop3A_53 : vector<16xf32>
      %parallel_loop3A_55 = arith.constant 16 : i32
      %parallel_loop3A_56 = arith.muli %parallel_loop3A_41, %parallel_loop3A_55 : i32
      %parallel_loop3A_57 = arith.constant 2 : i32
      %parallel_loop3A_58 = arith.index_cast %parallel_loop3A_57 : i32 to index
      %parallel_loop3A_59 = arith.index_cast %parallel_loop3A_56 : i32 to index
      %parallel_loop3A_60 = tpu.vector_load %arg9[%parallel_loop3A_58, %parallel_loop3A_59] {strides = array<i32>} : memref<16x640xf32, #tpu.memory_space<vmem>>, vector<16xf32>,
      %parallel_loop3A_61 = arith.addf %parallel_loop3A_54, %parallel_loop3A_60 : vector<16xf32>
      %parallel_loop3A_62 = arith.constant 16 : i32
      %parallel_loop3A_63 = arith.muli %parallel_loop3A_41, %parallel_loop3A_62 : i32
      %parallel_loop3A_64 = arith.constant 3 : i32
      %parallel_loop3A_65 = arith.index_cast %parallel_loop3A_64 : i32 to index
      %parallel_loop3A_66 = arith.index_cast %parallel_loop3A_63 : i32 to index
      %parallel_loop3A_67 = tpu.vector_load %arg9[%parallel_loop3A_65, %parallel_loop3A_66] {strides = array<i32>} : memref<16x640xf32, #tpu.memory_space<vmem>>, vector<16xf32>,
      %parallel_loop3A_68 = arith.addf %parallel_loop3A_61, %parallel_loop3A_67 : vector<16xf32>
      %parallel_loop3A_69 = arith.constant 16 : i32
      %parallel_loop3A_70 = arith.muli %parallel_loop3A_41, %parallel_loop3A_69 : i32
      %parallel_loop3A_71 = arith.constant 4 : i32
      %parallel_loop3A_72 = arith.index_cast %parallel_loop3A_71 : i32 to index
      %parallel_loop3A_73 = arith.index_cast %parallel_loop3A_70 : i32 to index
      %parallel_loop3A_74 = tpu.vector_load %arg9[%parallel_loop3A_72, %parallel_loop3A_73] {strides = array<i32>} : memref<16x640xf32, #tpu.memory_space<vmem>>, vector<16xf32>,
      %parallel_loop3A_75 = arith.addf %parallel_loop3A_68, %parallel_loop3A_74 : vector<16xf32>
      %parallel_loop3A_76 = arith.constant 16 : i32
      %parallel_loop3A_77 = arith.muli %parallel_loop3A_41, %parallel_loop3A_76 : i32
      %parallel_loop3A_78 = arith.constant 5 : i32
      %parallel_loop3A_79 = arith.index_cast %parallel_loop3A_78 : i32 to index
      %parallel_loop3A_80 = arith.index_cast %parallel_loop3A_77 : i32 to index
      %parallel_loop3A_81 = tpu.vector_load %arg9[%parallel_loop3A_79, %parallel_loop3A_80] {strides = array<i32>} : memref<16x640xf32, #tpu.memory_space<vmem>>, vector<16xf32>,
      %parallel_loop3A_82 = arith.addf %parallel_loop3A_75, %parallel_loop3A_81 : vector<16xf32>
      %parallel_loop3A_83 = arith.constant 16 : i32
      %parallel_loop3A_84 = arith.muli %parallel_loop3A_41, %parallel_loop3A_83 : i32
      %parallel_loop3A_85 = arith.constant 6 : i32
      %parallel_loop3A_86 = arith.index_cast %parallel_loop3A_85 : i32 to index
      %parallel_loop3A_87 = arith.index_cast %parallel_loop3A_84 : i32 to index
      %parallel_loop3A_88 = tpu.vector_load %arg9[%parallel_loop3A_86, %parallel_loop3A_87] {strides = array<i32>} : memref<16x640xf32, #tpu.memory_space<vmem>>, vector<16xf32>,
      %parallel_loop3A_89 = arith.addf %parallel_loop3A_82, %parallel_loop3A_88 : vector<16xf32>
      %parallel_loop3A_90 = arith.constant 16 : i32
      %parallel_loop3A_91 = arith.muli %parallel_loop3A_41, %parallel_loop3A_90 : i32
      %parallel_loop3A_92 = arith.constant 7 : i32
      %parallel_loop3A_93 = arith.index_cast %parallel_loop3A_92 : i32 to index
      %parallel_loop3A_94 = arith.index_cast %parallel_loop3A_91 : i32 to index
      %parallel_loop3A_95 = tpu.vector_load %arg9[%parallel_loop3A_93, %parallel_loop3A_94] {strides = array<i32>} : memref<16x640xf32, #tpu.memory_space<vmem>>, vector<16xf32>,
      %parallel_loop3A_96 = arith.addf %parallel_loop3A_89, %parallel_loop3A_95 : vector<16xf32>
      %parallel_loop3A_97 = arith.constant 16 : i32
      %parallel_loop3A_98 = arith.muli %parallel_loop3A_41, %parallel_loop3A_97 : i32
      %parallel_loop3A_99 = arith.constant 8 : i32
      %parallel_loop3A_100 = arith.index_cast %parallel_loop3A_99 : i32 to index
      %parallel_loop3A_101 = arith.index_cast %parallel_loop3A_98 : i32 to index
      %parallel_loop3A_102 = tpu.vector_load %arg9[%parallel_loop3A_100, %parallel_loop3A_101] {strides = array<i32>} : memref<16x640xf32, #tpu.memory_space<vmem>>, vector<16xf32>,
      %parallel_loop3A_103 = arith.addf %parallel_loop3A_96, %parallel_loop3A_102 : vector<16xf32>
      %parallel_loop3A_104 = arith.constant 16 : i32
      %parallel_loop3A_105 = arith.muli %parallel_loop3A_41, %parallel_loop3A_104 : i32
      %parallel_loop3A_106 = arith.constant 9 : i32
      %parallel_loop3A_107 = arith.index_cast %parallel_loop3A_106 : i32 to index
      %parallel_loop3A_108 = arith.index_cast %parallel_loop3A_105 : i32 to index
      %parallel_loop3A_109 = tpu.vector_load %arg9[%parallel_loop3A_107, %parallel_loop3A_108] {strides = array<i32>} : memref<16x640xf32, #tpu.memory_space<vmem>>, vector<16xf32>,
      %parallel_loop3A_110 = arith.addf %parallel_loop3A_103, %parallel_loop3A_109 : vector<16xf32>
      %parallel_loop3A_111 = arith.constant 16 : i32
      %parallel_loop3A_112 = arith.muli %parallel_loop3A_41, %parallel_loop3A_111 : i32
      %parallel_loop3A_113 = arith.constant 10 : i32
      %parallel_loop3A_114 = arith.index_cast %parallel_loop3A_113 : i32 to index
      %parallel_loop3A_115 = arith.index_cast %parallel_loop3A_112 : i32 to index
      %parallel_loop3A_116 = tpu.vector_load %arg9[%parallel_loop3A_114, %parallel_loop3A_115] {strides = array<i32>} : memref<16x640xf32, #tpu.memory_space<vmem>>, vector<16xf32>,
      %parallel_loop3A_117 = arith.addf %parallel_loop3A_110, %parallel_loop3A_116 : vector<16xf32>
      %parallel_loop3A_118 = arith.constant 16 : i32
      %parallel_loop3A_119 = arith.muli %parallel_loop3A_41, %parallel_loop3A_118 : i32
      %parallel_loop3A_120 = arith.constant 11 : i32
      %parallel_loop3A_121 = arith.index_cast %parallel_loop3A_120 : i32 to index
      %parallel_loop3A_122 = arith.index_cast %parallel_loop3A_119 : i32 to index
      %parallel_loop3A_123 = tpu.vector_load %arg9[%parallel_loop3A_121, %parallel_loop3A_122] {strides = array<i32>} : memref<16x640xf32, #tpu.memory_space<vmem>>, vector<16xf32>,
      %parallel_loop3A_124 = arith.addf %parallel_loop3A_117, %parallel_loop3A_123 : vector<16xf32>
      %parallel_loop3A_125 = arith.constant 16 : i32
      %parallel_loop3A_126 = arith.muli %parallel_loop3A_41, %parallel_loop3A_125 : i32
      %parallel_loop3A_127 = arith.constant 12 : i32
      %parallel_loop3A_128 = arith.index_cast %parallel_loop3A_127 : i32 to index
      %parallel_loop3A_129 = arith.index_cast %parallel_loop3A_126 : i32 to index
      %parallel_loop3A_130 = tpu.vector_load %arg9[%parallel_loop3A_128, %parallel_loop3A_129] {strides = array<i32>} : memref<16x640xf32, #tpu.memory_space<vmem>>, vector<16xf32>,
      %parallel_loop3A_131 = arith.addf %parallel_loop3A_124, %parallel_loop3A_130 : vector<16xf32>
      %parallel_loop3A_132 = arith.constant 16 : i32
      %parallel_loop3A_133 = arith.muli %parallel_loop3A_41, %parallel_loop3A_132 : i32
      %parallel_loop3A_134 = arith.constant 13 : i32
      %parallel_loop3A_135 = arith.index_cast %parallel_loop3A_134 : i32 to index
      %parallel_loop3A_136 = arith.index_cast %parallel_loop3A_133 : i32 to index
      %parallel_loop3A_137 = tpu.vector_load %arg9[%parallel_loop3A_135, %parallel_loop3A_136] {strides = array<i32>} : memref<16x640xf32, #tpu.memory_space<vmem>>, vector<16xf32>,
      %parallel_loop3A_138 = arith.addf %parallel_loop3A_131, %parallel_loop3A_137 : vector<16xf32>
      %parallel_loop3A_139 = arith.constant 16 : i32
      %parallel_loop3A_140 = arith.muli %parallel_loop3A_41, %parallel_loop3A_139 : i32
      %parallel_loop3A_141 = arith.constant 14 : i32
      %parallel_loop3A_142 = arith.index_cast %parallel_loop3A_141 : i32 to index
      %parallel_loop3A_143 = arith.index_cast %parallel_loop3A_140 : i32 to index
      %parallel_loop3A_144 = tpu.vector_load %arg9[%parallel_loop3A_142, %parallel_loop3A_143] {strides = array<i32>} : memref<16x640xf32, #tpu.memory_space<vmem>>, vector<16xf32>,
      %parallel_loop3A_145 = arith.addf %parallel_loop3A_138, %parallel_loop3A_144 : vector<16xf32>
      %parallel_loop3A_146 = arith.constant 16 : i32
      %parallel_loop3A_147 = arith.muli %parallel_loop3A_41, %parallel_loop3A_146 : i32
      %parallel_loop3A_148 = arith.constant 15 : i32
      %parallel_loop3A_149 = arith.index_cast %parallel_loop3A_148 : i32 to index
      %parallel_loop3A_150 = arith.index_cast %parallel_loop3A_147 : i32 to index
      %parallel_loop3A_151 = tpu.vector_load %arg9[%parallel_loop3A_149, %parallel_loop3A_150] {strides = array<i32>} : memref<16x640xf32, #tpu.memory_space<vmem>>, vector<16xf32>,
      %parallel_loop3A_152 = arith.addf %parallel_loop3A_145, %parallel_loop3A_151 : vector<16xf32>
      %parallel_loop3A_153 = arith.constant 16 : i32
      %parallel_loop3A_154 = arith.muli %parallel_loop3A_41, %parallel_loop3A_153 : i32
      %parallel_loop3A_155 = arith.index_cast %parallel_loop3A_154 : i32 to index
      %parallel_loop3A_156 = tpu.vector_load %arg8[%parallel_loop3A_155] {strides = array<i32>} : memref<640xf32, #tpu.memory_space<vmem>>, vector<16xf32>,
      tpu.vector_store %arg8[%parallel_loop3A_155], %parallel_loop3A_152 {strides = array<i32>} : memref<640xf32, #tpu.memory_space<vmem>>, vector<16xf32>,
    } {sc.loop_unroll_factor = 4 : i64, sc.parallel_access}
    %mul3A_39 = arith.constant 640 : i32
    %mul3A_40 = arith.muli %arg1, %mul3A_39 : i32
    "tpu.region"() ({
      %run_scoped3A = tpu.sem_alloc : memref<!tpu.dma_semaphore, #tpu.memory_space<semaphore_mem>>
      %dma_start3A_41 = tpu.memref_slice %arg4[%mul3A_40] : memref<10240xf32, #tpu.memory_space<hbm>> -> memref<640xf32, #tpu.memory_space<hbm>>
      %dma_start3A_42 = tpu.memref_slice %arg4[%mul3A_40] : memref<10240xf32, #tpu.memory_space<hbm>> -> memref<640xf32, #tpu.memory_space<hbm>>
      tpu.enqueue_dma source(%arg8 : memref<640xf32, #tpu.memory_space<vmem>>) target(%dma_start3A_42 : memref<640xf32, #tpu.memory_space<hbm>>) target_semaphore(%run_scoped3A : memref<!tpu.dma_semaphore, #tpu.memory_space<semaphore_mem>>)
      %dma_wait3A_43 = tpu.memref_slice %arg4[%mul3A_40] : memref<10240xf32, #tpu.memory_space<hbm>> -> memref<640xf32, #tpu.memory_space<hbm>>
      %dma_wait3A_44 = tpu.memref_slice %arg4[%mul3A_40] : memref<10240xf32, #tpu.memory_space<hbm>> -> memref<640xf32, #tpu.memory_space<hbm>>
      tpu.wait_dma2 semaphore(%run_scoped3A : memref<!tpu.dma_semaphore, #tpu.memory_space<semaphore_mem>>) src(%arg8 : memref<640xf32, #tpu.memory_space<vmem>>) dst(%dma_wait3A_44 : memref<640xf32, #tpu.memory_space<hbm>>)
      tpu.yield
    }) : () -> ()
    return
  }
}

module attributes {stable_mosaic.version = 14 : i64} {
  func.func @_mlp_body(%arg0: i32, %arg1: memref<32000x128xf32, #tpu.memory_space<vmem>>, %arg2: memref<128x64xf32, #tpu.memory_space<vmem>>, %arg3: memref<1x64xf32, #tpu.memory_space<vmem>>, %arg4: memref<1x64xf32, #tpu.memory_space<vmem>>, %arg5: memref<1x1xf32, #tpu.memory_space<vmem>>, %arg6: memref<1x32000xf32, #tpu.memory_space<vmem>>) attributes {dimension_semantics = [#tpu.dimension_semantics<arbitrary>], iteration_bounds = array<i64: 10>, scalar_prefetch = 0 : i64, scratch_operands = 0 : i64, tpu.core_type = #tpu.core_type<tc>, window_params = [{transform_indices = @transform_0, window_bounds = array<i64: 32000, 128>}, {pipeline_mode = #tpu.pipeline_mode<synchronous>, transform_indices = @transform_1, window_bounds = array<i64: 128, 64>}, {pipeline_mode = #tpu.pipeline_mode<synchronous>, transform_indices = @transform_2, window_bounds = array<i64: 1, 64>}, {pipeline_mode = #tpu.pipeline_mode<synchronous>, transform_indices = @transform_3, window_bounds = array<i64: 1, 64>}, {pipeline_mode = #tpu.pipeline_mode<synchronous>, transform_indices = @transform_4, window_bounds = array<i64: 1, 1>}, {transform_indices = @transform_5, window_bounds = array<i64: 1, 32000>}]} {
    %get3A = arith.constant 0 : index
    %get3A_0 = arith.constant 0 : index
    %get3A_1 = vector.load %arg2[%get3A, %get3A_0] : memref<128x64xf32, #tpu.memory_space<vmem>>, vector<128x64xf32>
    %get3A_2 = arith.constant 0 : index
    %get3A_3 = arith.constant 0 : index
    %get3A_4 = vector.load %arg3[%get3A_2, %get3A_3] : memref<1x64xf32, #tpu.memory_space<vmem>>, vector<1x64xf32>
    %get3A_5 = arith.constant 0 : index
    %get3A_6 = arith.constant 0 : index
    %get3A_7 = vector.load %arg4[%get3A_5, %get3A_6] : memref<1x64xf32, #tpu.memory_space<vmem>>, vector<1x64xf32>
    %get3A_8 = arith.constant 0 : index
    %get3A_9 = arith.constant 0 : index
    %get3A_10 = vector.load %arg5[%get3A_8, %get3A_9] : memref<1x1xf32, #tpu.memory_space<vmem>>, vector<1x1xf32>
    %get3A_11 = arith.constant 0 : index
    %get3A_12 = arith.constant 0 : index
    %get3A_13 = vector.load %arg1[%get3A_11, %get3A_12] : memref<32000x128xf32, #tpu.memory_space<vmem>>, vector<32000x128xf32>
    %dot_general3A = arith.constant dense<0.000000e+00> : vector<32000x64xf32>
    %dot_general3A_14 = tpu.matmul %get3A_13, %get3A_1, %dot_general3A {dimension_numbers = #tpu.dot_dimension_numbers<[1], [0], [0], [1], [0, 0, 1, 1], [], []>, transpose_lhs_hint = false} : vector<32000x128xf32>, vector<128x64xf32>, vector<32000x64xf32> -> vector<32000x64xf32>
    %add3A = vector.broadcast %get3A_4 : vector<1x64xf32> to vector<32000x64xf32>
    %add3A_15 = arith.addf %dot_general3A_14, %add3A : vector<32000x64xf32>
    %abs3A = math.absf %add3A_15 : vector<32000x64xf32>
    %neg3A = arith.constant 0.000000e+00 : f32
    %neg3A_16 = vector.broadcast %neg3A : f32 to vector<32000x64xf32>
    %neg3A_17 = arith.subf %neg3A_16, %abs3A : vector<32000x64xf32>
    %exp3A = math.exp %neg3A_17 : vector<32000x64xf32>
    %max3A = arith.constant 0.000000e+00 : f32
    %max3A_18 = vector.broadcast %max3A : f32 to vector<32000x64xf32>
    %max3A_19 = arith.maximumf %add3A_15, %max3A_18 : vector<32000x64xf32>
    %add3A_20 = arith.constant 1.000000e+00 : f32
    %add3A_21 = vector.broadcast %add3A_20 : f32 to vector<32000x64xf32>
    %add3A_22 = arith.addf %add3A_21, %exp3A : vector<32000x64xf32>
    %log3A = math.log %add3A_22 : vector<32000x64xf32>
    %log3A_23 = arith.constant 2.000000e+00 : f32
    %log3A_24 = math.log %log3A_23 : f32
    %sub3A = vector.broadcast %log3A_24 : f32 to vector<32000x64xf32>
    %sub3A_25 = arith.subf %log3A, %sub3A : vector<32000x64xf32>
    %add3A_26 = arith.addf %max3A_19, %sub3A_25 : vector<32000x64xf32>
    %dot_general3A_27 = arith.constant dense<0.000000e+00> : vector<1x32000xf32>
    %dot_general3A_28 = tpu.matmul %get3A_7, %add3A_26, %dot_general3A_27 {dimension_numbers = #tpu.dot_dimension_numbers<[1], [1], [0], [0], [0, 0, 1, 0], [], []>, transpose_lhs_hint = false} : vector<1x64xf32>, vector<32000x64xf32>, vector<1x32000xf32> -> vector<1x32000xf32>
    %add3A_29 = vector.broadcast %get3A_10 : vector<1x1xf32> to vector<1x32000xf32>
    %add3A_30 = arith.addf %dot_general3A_28, %add3A_29 : vector<1x32000xf32>
    %swap3A = arith.constant 0 : index
    %swap3A_31 = arith.constant 0 : index
    %swap3A_32 = vector.load %arg6[%swap3A, %swap3A_31] : memref<1x32000xf32, #tpu.memory_space<vmem>>, vector<1x32000xf32>
    tpu.vector_store %arg6[%swap3A, %swap3A_31], %add3A_30 {strides = array<i32>} : memref<1x32000xf32, #tpu.memory_space<vmem>>, vector<1x32000xf32>,
    return
  }
  func.func @transform_0(%arg0: i32) -> (i32, i32) {
    %c0_i32 = arith.constant 0 : i32
    %c0_i32_0 = arith.constant 0 : i32
    return %arg0, %c0_i32 : i32, i32
  }
  func.func @transform_1(%arg0: i32) -> (i32, i32) {
    %c0_i32 = arith.constant 0 : i32
    %c0_i32_0 = arith.constant 0 : i32
    %c0_i32_1 = arith.constant 0 : i32
    return %c0_i32, %c0_i32_0 : i32, i32
  }
  func.func @transform_2(%arg0: i32) -> (i32, i32) {
    %c0_i32 = arith.constant 0 : i32
    %c0_i32_0 = arith.constant 0 : i32
    %c0_i32_1 = arith.constant 0 : i32
    return %c0_i32, %c0_i32_0 : i32, i32
  }
  func.func @transform_3(%arg0: i32) -> (i32, i32) {
    %c0_i32 = arith.constant 0 : i32
    %c0_i32_0 = arith.constant 0 : i32
    %c0_i32_1 = arith.constant 0 : i32
    return %c0_i32, %c0_i32_0 : i32, i32
  }
  func.func @transform_4(%arg0: i32) -> (i32, i32) {
    %c0_i32 = arith.constant 0 : i32
    %c0_i32_0 = arith.constant 0 : i32
    %c0_i32_1 = arith.constant 0 : i32
    return %c0_i32, %c0_i32_0 : i32, i32
  }
  func.func @transform_5(%arg0: i32) -> (i32, i32) {
    %c0_i32 = arith.constant 0 : i32
    %c0_i32_0 = arith.constant 0 : i32
    return %c0_i32, %arg0 : i32, i32
  }
}

</mosaic_0001>

<sc_bundles>
// kernel: kernel.4.cloned.1.call-start
scs
__scs_entry_jumppad:
0x0: {  	(pc) =	sbr.rel $0x88, $3  }
0x1: {  	(tag) =	ssettag $0x0;
	lr =	simm.s32 $0x1  }
0x2: {  	[smem:$0x3F9B] =	sst lr;
	_ =	strace $0xD0000000  }
0x3: {  	_ = 	snop  }
0x4: {  	_ = 	snop  }
0x5: {  	_ = 	snop  }
0x6: {  	_ = 	snop  }
0x7: {  	_ = 	snop  }
__scs_overlays_trampoline_lowered:
0x8: {  	[smem:$0x3FAA] =	sst s0  }
0x9: {  	[smem:$0x3FAB] =	sst s1  }
0xa: {  	[smem:$0x3FAC] =	sst s2  }
0xb: {  	[smem:$0x3FAD] =	sst s3  }
0xc: {  	[smem:$0x3FAE] =	sst s4  }
0xd: {  	[smem:$0x3FAF] =	sst s5  }
0xe: {  	[smem:$0x3FB0] =	sst s6  }
0xf: {  	[smem:$0x3FB1] =	sst s7  }
0x10: {  	[smem:$0x3FB2] =	sst s8  }
0x11: {  	[smem:$0x3FB3] =	sst s9;
	s0 =	simm.s32 @!p0 $0x0  }
0x12: {  	s1 =	sld [smem:$0x3F99];
	s0 =	simm.s32 @p0 $0x1  }
0x13: {  	[smem:$0x3FB4] =	sst s0;
	s0 =	simm.s32 @!p1 $0x0  }
0x14: {  	s2 =	sld [smem:$0x3F98];
	s0 =	simm.s32 @p1 $0x1  }
0x15: {  	[smem:$0x3FB5] =	sst s0;
	s0 =	simm.s32 @!p2 $0x0  }
0x16: {  	s3 =	sld [smem:$0x3FDB];
	s0 =	simm.s32 @p2 $0x1  }
0x17: {  	s4 =	simm.s32 $0x1BF5;
	[smem:$0x3FB7] =	sst s0  }
0x18: {  	s0 =	sld [smem:$0x3F9A];
	_ =	swait.ge [sflag:s4], $0x0  }
0x19: {  	s7 =	sld [smem:$0x3F9B]  }
0x1a: {  	s8 =	sadd.s32 $0xFFFFE003, lr  }
0x1b: {  	s9 =	sadd.s32 $0xFFFFFEF7, lr;
	s5 =	simm.s32 $0xFFFFFFFF;
	p2 =	slt.u32 s8, $0xFFFFF086  }
0x1c: {  	p1 =	slt.u32 s9, $0xF7A;
	s5 =	simm.s32 @!p2 $0x0  }
0x1d: {  	s5 =	simm.s32 @p1 $0x1;
	p0 =	seq.s32 s7, s2  }
0x1e: {  	s7 =	smul.u32 @!p0 $0xF7A, s2;
	p2 =	seq.s32 @!p0 s5, $0x0  }
0x1f: {  	s9 =	smul.u32 $0xF7A, s1;
	s8 =	simm.s32 @!p0 $0x1BF5;
	p2 =	por !p2, p0  }
0x20: {  	[sflag:s8] =	ssyncset.s32 @!p0 $0xFFFFF086;
	s6 =	sadd.s32 @!p0 s3, s7;
	s7 =	simm.s32 @!p0 $0x108  }
0x21: {  	s3 =	sadd.s32 s3, s9;
	s6 =	sadd.s32 @!p0 $0x88, s6;
	s7 =	simm.s32 @p2 $0x1082  }
0x22: {  	[simem:s7], [sflag:s8] =	dma.local @!p0 [hbm:s6], $0xF7A  }
0x23: {  	s9 =	sor.u32 $0xD0000000, s2;
	s6 =	simm.s32 $0x108;
	_ =	swait.ge @!p0 [sflag:s8], $0x0  }
0x24: {  	s3 =	sadd.s32 $0x88, s3;
	s6 =	simm.s32 @!p1 $0x1082;
	[sflag:s4] =	ssyncset.s32 $0xFFFFF086  }
0x25: {  	[simem:s6], [sflag:s4] =	dma.local [hbm:s3], $0xF7A  }
0x26: {  	[smem:$0x3F9B] =	sst s1;
	(tag) =	ssettag s2;
	_ =	strace s9  }
0x27: {  	s1 =	sld [smem:$0x3FAB]  }
0x28: {  	s2 =	sld [smem:$0x3FAC]  }
0x29: {  	s4 =	sld [smem:$0x3FAE]  }
0x2a: {  	p0 =	seq.s32 s5, $0x0;
	s5 =	sld [smem:$0x3FAF]  }
0x2b: {  	s6 =	sld [smem:$0x3FB0]  }
0x2c: {  	s7 =	sld [smem:$0x3FB1]  }
0x2d: {  	s3 =	simm.s32 $0x108;
	s8 =	sld [smem:$0x3FB2]  }
0x2e: {  	s3 =	simm.s32 @!p0 $0x1082;
	s9 =	sld [smem:$0x3FB3]  }
0x2f: {  	lr =	sadd.s32 s0, s3;
	s0 =	sld [smem:$0x3FAA]  }
0x30: {  	s3 =	sld [smem:$0x3FAD]  }
0x31: {  	[smem:$0x3FB6] =	sst s10  }
0x32: {  	s10 =	sld [smem:$0x3FB4];
	_ =	sdelay $0x3  }
0x33: {  	p0 =	seq.s32 s10, $0x1;
	s10 =	sld [smem:$0x3FB6];
	_ =	sdelay $0x3  }
0x34: {  	[smem:$0x3FB6] =	sst s10  }
0x35: {  	s10 =	sld [smem:$0x3FB5];
	_ =	sdelay $0x3  }
0x36: {  	p1 =	seq.s32 s10, $0x1;
	s10 =	sld [smem:$0x3FB6];
	_ =	sdelay $0x3  }
0x37: {  	[smem:$0x3FB6] =	sst s10  }
0x38: {  	s10 =	sld [smem:$0x3FB7]  }
0x39: {  	_ = 	snop;
	(pc) =	sbr.ind lr, $3  }
0x3a: {  	_ = 	snop  }
0x3b: {  	_ = 	snop  }
0x3c: {  	p2 =	seq.s32 s10, $0x1;
	s10 =	sld [smem:$0x3FB6]  }
0x3d: {  	_ =	shalt  }
0x3e: {  	_ =	shalt  }
0x3f: {  	_ =	shalt  }
0x40: {  	_ =	shalt  }
0x41: {  	_ =	shalt  }
0x42: {  	_ =	shalt  }
0x43: {  	_ =	shalt  }
0x44: {  	_ =	shalt  }
0x45: {  	_ =	shalt  }
0x46: {  	_ =	shalt  }
0x47: {  	_ =	shalt  }
0x48: {  	_ =	shalt  }
0x49: {  	_ =	shalt  }
0x4a: {  	_ =	shalt  }
0x4b: {  	_ =	shalt  }
0x4c: {  	_ =	shalt  }
0x4d: {  	_ =	shalt  }
0x4e: {  	_ =	shalt  }
0x4f: {  	_ =	shalt  }
0x50: {  	_ =	shalt  }
0x51: {  	_ =	shalt  }
0x52: {  	_ =	shalt  }
0x53: {  	_ =	shalt  }
0x54: {  	_ =	shalt  }
0x55: {  	_ =	shalt  }
0x56: {  	_ =	shalt  }
0x57: {  	_ =	shalt  }
0x58: {  	_ =	shalt  }
0x59: {  	_ =	shalt  }
0x5a: {  	_ =	shalt  }
0x5b: {  	_ =	shalt  }
0x5c: {  	_ =	shalt  }
0x5d: {  	_ =	shalt  }
0x5e: {  	_ =	shalt  }
0x5f: {  	_ =	shalt  }
0x60: {  	_ =	shalt  }
0x61: {  	_ =	shalt  }
0x62: {  	_ =	shalt  }
0x63: {  	_ =	shalt  }
0x64: {  	_ =	shalt  }
0x65: {  	_ =	shalt  }
0x66: {  	_ =	shalt  }
0x67: {  	_ =	shalt  }
0x68: {  	_ =	shalt  }
0x69: {  	_ =	shalt  }
0x6a: {  	_ =	shalt  }
0x6b: {  	_ =	shalt  }
0x6c: {  	_ =	shalt  }
0x6d: {  	_ =	shalt  }
0x6e: {  	_ =	shalt  }
0x6f: {  	_ =	shalt  }
0x70: {  	_ =	shalt  }
0x71: {  	_ =	shalt  }
0x72: {  	_ =	shalt  }
0x73: {  	_ =	shalt  }
0x74: {  	_ =	shalt  }
0x75: {  	_ =	shalt  }
0x76: {  	_ =	shalt  }
0x77: {  	_ =	shalt  }
0x78: {  	_ =	shalt  }
0x79: {  	_ =	shalt  }
0x7a: {  	_ =	shalt  }
0x7b: {  	_ =	shalt  }
0x7c: {  	_ =	shalt  }
0x7d: {  	_ =	shalt  }
0x7e: {  	_ =	shalt  }
0x7f: {  	_ =	shalt  }
0x80: {  	_ =	shalt  }
0x81: {  	_ =	shalt  }
0x82: {  	_ =	shalt  }
0x83: {  	_ =	shalt  }
0x84: {  	_ =	shalt  }
0x85: {  	_ =	shalt  }
0x86: {  	_ =	shalt  }
0x87: {  	_ =	shalt  }
.Lfunc_end0:
.L_simem_size_0:
called_computation_lowered:
.L_overlay_start_0:
0x88: {  	s0 =	sld [smem:$0x3FD9]  }
0x89: {  	s1 =	sld [smem:$0x3FFE];
	_ =	sdelay $0x3  }
0x8a: {  	s0 =	sadd.s32 s1, s0  }
0x8b: {  	[smem:$0x3FC2] =	sst s0  }
0x8c: {  	_ = 	snop  }
0x8d: {  	s0 =	sld [smem:$0x3FC8];
	(tm) =	ssettm $0x1  }
0x8e: {  	s16 =	sld [smem:$0x3FFB];
	_ =	sdelay $0x3  }
0x8f: {  	_ =	strace s16  }
0x90: {  	s1 =	sld [smem:$0x3FFC];
	_ =	sdelay $0x3  }
0x91: {  	_ =	strace s1  }
0x92: {  	s1 =	sld [smem:$0x3FFD];
	_ =	sdelay $0x3  }
0x93: {  	_ =	strace s1  }
0x94: {  	_ =	strace $0x8FFFFFFF  }
0x95: {  	s17 =	sld [smem:$0x3FDB];
	_ =	sdelay $0x1  }
0x96: {  	s2 =	simm.s32 $_scs_section_size  }
0x97: {  	s3 =	simm.s32 $_size__tile_overlayer_lowered;
	s4 =	simm.s32 $_tile_overlayer_lowered  }
0x98: {  	s20 =	simm.s32 $0x1BFF;
	s19 =	sshll.u32 s4, $0x1;
	s1 =	sadd.s32 s2, s17  }
0x99: {  	s5 =	simm.s32 $0x0;
	s18 =	sshll.u32 s3, $0x1;
	s3 =	sadd.s32 s19, s1  }
0x9a: {  	[timem:s5], [sflag:s20] =	dma.local [hbm:s3], s18  }
0x9b: {  	_ =	swait.ge [sflag:s20], s18  }
0x9c: {  	s2 =	ssub.s32 $0x0, s18;
	[sflag:s20] =	ssyncset.done $0x0  }
0x9d: {  	[sflag:s20] =	ssyncadd.s32 s2;
	_ =	sdelay $0x1  }
0x9e: {  	s21 =	simm.s32 $0x1B8B  }
0x9f: {  	_ =	swait.ge [sflag:s21], $0x1  }
0xa0: {  	[sflag:s21] =	ssyncset.done $0x0  }
0xa1: {  	s23 =	simm.s32 $0x1B8E;
	s22 =	sld [smem:$0x3FFE];
	[sflag:s21] =	ssyncadd.s32 $0xFFFFFFFF  }
0xa2: {  	s24 =	simm.s32 $execute0_lowered;
	[smem:$0x3FD2] =	sst s23  }
0xa3: {  	s3 =	sshll.u32 s24, $0x1;
	_ =	strace $0x80000046;
	[dreg:$0x1] =	wrdreg $0xFFFFFFFF  }
0xa4: {  	s25 =	simm.s32 $_size_execute0_lowered;
	s1 =	sadd.s32 s1, s3;
	[dreg:$0x0] =	wrdreg $0x0  }
0xa5: {  	s3 =	sshll.u32 s25, $0x1;
	[dreg:$0x2] =	wrdreg s1  }
0xa6: {  	[dreg:$0x3] =	wrdreg s3  }
0xa7: {  	[dreg:$0x4] =	wrdreg $0xC0  }
0xa8: {  	_ =	task [dreg:s5], $0x5FFFF  }
0xa9: {  	[dreg:$0x1] =	wrdreg $0xFFFFFFFF  }
0xaa: {  	[dreg:$0x0] =	wrdreg $0x60  }
0xab: {  	[dreg:$0x2] =	wrdreg s22  }
0xac: {  	[dreg:$0x3] =	wrdreg s0  }
0xad: {  	[dreg:$0x4] =	wrdreg $0xEF800  }
0xae: {  	[dreg:$0x5] =	wrdreg $0x9  }
0xaf: {  	_ =	task.clear_ibuf [dreg:s5], $0x6FFFF;
	_ =	strace $0x90000046  }
0xb0: {  	s26 =	simm.s32 $0x9;
	_ =	strace $0x80000048  }
0xb1: {  	_ =	swait.ge [sflag:s26], $0x1  }
0xb2: {  	[sflag:s26] =	ssyncadd.s32 $0xFFFFFFFF  }
0xb3: {  	_ =	strace $0x90000048  }
0xb4: {  	_ =	sfence  }
0xb5: {  	s28 =	sld [smem:$0x0];
	_ =	sdelay $0x1  }
0xb6: {  	s29 =	srdreg.scid  }
0xb7: {  	s30 =	sshll.u32 s29, $0xD;
	s31 =	sshrl.u32 s29, $0x2  }
0xb8: {  	s2 =	sand.u32 $0x4000, s30;
	s1 =	sand.u32 $0x1, s29;
	s0 =	sadd.s32 s31, s28  }
0xb9: {  	s1 =	sor.u32 s2, s1;
	s0 =	sshll.u32 s0, $0x11  }
0xba: {  	s0 =	sor.u32 s0, s1  }
0xbb: {  	s0 =	sadd.s32 $0x8F2B, s0  }
0xbc: {  	[sflag:s0] =	ssyncadd.remote.s32 $0x1  }
0xbd: {  	_ =	sfence.sel $0xFFFF  }
0xbe: {  	[dreg:$0x0] =	wrdreg $0xFFFFFFFF;
	(pc) =	sbr.abs _section_cstart, $3  }
0xbf: {  	[dreg:$0x1] =	wrdreg $0xFFFFFFFF  }
0xc0: {  	_ =	task.clear_ibuf [dreg:s5], $0x2FFFF;
	_ =	strace $0x9FFFFFFF  }
0xc1: {  	(tm) =	ssettm $0x7FFFFFFF  }
tec
execute0_lowered:
.L_overlay_start_1:
0x0: {  	(tag) =	ssettag $0x1  }
0x1: {  	s6 =	stileid.u32  }
0x2: {  	s1 =	rddreg [dreg:$0x0];
	s2 =	smul.u32 $0x9C4, s6  }
0x3: {  	s0 =	rddreg [dreg:$0x1];
	s4 =	simm.s32 $0x0  }
0x4: {  	[smem:$0x7FF] =	sst s4;
	s5 =	sadd.s32 s2, s1  }
0x5: {  	s3 =	rddreg [dreg:$0x2];
	_ =	strace $0x80000047;
	s5 =	sadd.s32 $0x400, s5  }
0x6: {  	[tilespmem:s4], [sflag:$0x1] =	stream.linear.gather [hbm4b:s5+s4], $0x4E20, $0x38;
	[tilespmem:$0x11780] =	vst v63  }
0x7: {  	s31 =	simm.s32 $0x4E80;
	s0 =	sadd.s32 s0, s2  }
0x8: {  	[tilespmem:s31], [sflag:$0x2] =	stream.linear.gather [hbm4b:s0+s4], $0x4E20, $0x38;
	[tilespmem:$0x11780] =	vst v63  }
0x9: {  	v0 =	vimm.f32 $0.0e+00;
	s0 =	simm.s32 $0x9D40  }
0xa: {  	[tilespmem:s0+$0xFFFFFFC0] =	vst v0  }
0xb: {  	[tilespmem:s0+$0x30] =	vst v0  }
0xc: {  	[tilespmem:s0+$0x20] =	vst v0  }
0xd: {  	[tilespmem:s0+$0x10] =	vst v0  }
0xe: {  	[tilespmem:s0+$0x0] =	vst v0  }
0xf: {  	s1 =	sadd.s32 $0xA200, s1;
	[tilespmem:s0+$0xFFFFFFF0] =	vst v0  }
0x10: {  	[dreg:$0xa] =	wrdreg s1  }
0x11: {  	s1 =	simm.s32 $0x0;
	[tilespmem:s0+$0xFFFFFFE0] =	vst v0  }
.LBB2_1:
0x12: {  	s1 =	sadd.s32 $0x8, s1;
	[tilespmem:s0+$0xFFFFFFD0] =	vst v0;
	s0 =	sadd.s32 $0x80, s0  }
0x13: {  	[tilespmem:s0+$0xFFFFFFC0] =	vst v0;
	p0 =	slt.u32 s1, $0x278  }
0x14: {  	[tilespmem:s0+$0x30] =	vst v0  }
.Ltmp0:
0x15: {  	[tilespmem:s0+$0x20] =	vst v0;
	(pc) =	sbr.rel @p0 .LBB2_1-.Ltmp0, $4  }
0x16: {  	[tilespmem:s0+$0x10] =	vst v0  }
0x17: {  	[tilespmem:s0+$0x0] =	vst v0  }
0x18: {  	[tilespmem:s0+$0xFFFFFFF0] =	vst v0  }
0x19: {  	[tilespmem:s0+$0xFFFFFFE0] =	vst v0  }
0x1a: {  	[tilespmem:s0+$0xFFFFFFD0] =	vst v0;
	s29 =	simm.s32 $0x1  }
0x1b: {  	_ =	swait.ge [sflag:s29], $0x4E20  }
0x1c: {  	[sflag:s29] =	ssyncset.done $0x0  }
0x1d: {  	s30 =	simm.s32 $0x2;
	[sflag:s29] =	ssyncadd.s32 $0xFFFFB1E0  }
0x1e: {  	_ =	swait.ge [sflag:s30], $0x4E20  }
0x1f: {  	[sflag:s30] =	ssyncset.done $0x0  }
0x20: {  	v0 =	vimm.s32 $0x0;
	[sflag:s30] =	ssyncadd.s32 $0xFFFFB1E0  }
0x21: {  	s31 =	simm.s32 $0x20;
	[tilespmem:$0x9CA0] =	vst v0  }
0x22: {  	v0 =	vld [tilespmem:s31+$0x10];
	_ =	sdelay $0x4  }
0x23: {  	s1 =	simm.s32 $0x4EA0;
	v1 =	vld [tilespmem:s31+$0xFFFFFFE0];
	(xrf2) =	vadd.scan.msk.f32 $0xffff, v0  }
0x24: {  	v5 =	vld [tilespmem:s1+$0x10]  }
0x25: {  	v6 =	vld [tilespmem:s1+$0x11]  }
0x26: {  	v7 =	vld [tilespmem:s1+$0xFFFFFFE0]  }
0x27: {  	v8 =	vld [tilespmem:s31+$0xFFFFFFF0]  }
0x28: {  	v0 =	vld [tilespmem:s1+$0xFFFFFFE1]  }
0x29: {  	(xrf2) =	vadd.scan.msk.f32 $0xffff, v1;
	_ =	sdelay $0x1  }
0x2a: {  	v9 =	vld [tilespmem:s31+$0x0]  }
0x2b: {  	vm0 =	vcmask $0x3F3C;
	v2 =	vld [tilespmem:s1+$0xFFFFFFF1];
	vm2 =	vne.s32 v5, v6  }
0x2c: {  	v3 =	vld [tilespmem:s1+$0x0];
	vm3 =	vmor vm2, vm0;
	vm4 =	vne.s32 v7, v0;
	v10, _, _ =	vpop (xrf2);
	(xrf2) =	vadd.scan.msk.f32 $0xffff, v8  }
0x2d: {  	vm1 =	vmmov $0x7fff;
	v1 =	vld [tilespmem:s1+$0xFFFFFFF0];
	vm7 =	vmor vm4, vm0  }
0x2e: {  	v4 =	vld [tilespmem:s1+$0x1];
	vm6 =	vmand vm2, vm1  }
0x2f: {  	(xrf2) =	vadd.scan.msk.f32 $0xffff, v9;
	_ =	sdelay $0x1  }
0x30: {  	s0 =	simm.s32 $0x9D00  }
0x31: {  	vm2 =	vmand vm4, vm1;
	vm4 =	vne.s32 v1, v2;
	v63 =	vsub.f32 $0.0e+00, v10;
	[tilespmem:v5+s0+$0x0] =	vst.idx.add.f32.msk vm3, v10;
	v5, _, _ =	vpop (xrf2)  }
0x32: {  	vm5 =	vmor vm4, vm0;
	vm3 =	vmand vm4, vm1;
	vm4 =	vne.s32 v3, v4;
	[tilespmem:v7+s0+$0x0] =	vst.idx.add.f32.msk vm7, v5  }
0x33: {  	s2 =	simm.s32 $0x0;
	s4 =	simm.s32 $0x60;
	v5 =	vsub.f32 $0.0e+00, v5;
	[tilespmem:v6+s0+$0x0] =	vst.idx.add.f32.msk vm6, v63;
	vm6 =	vmor vm4, vm0;
	vm4 =	vmand vm4, vm1  }
.LBB2_3:
0x34: {  	v6 =	vld [tilespmem:s4+$0x10];
	s2 =	sadd.s32 $0x4, s2  }
0x35: {  	v7 =	vld [tilespmem:s4+$0xFFFFFFF0];
	p0 =	slt.u32 s2, $0x4DC;
	v8, _, _ =	vpop (xrf2)  }
0x36: {  	v9 =	vld [tilespmem:s4+$0x0];
	v10 =	vsub.f32 $0.0e+00, v8  }
0x37: {  	s1 =	sadd.s32 $0x40, s1;
	v11 =	vld [tilespmem:s4+$0xFFFFFFE0]  }
0x38: {  	v12 =	vld [tilespmem:s1+$0x10];
	v13, _, _ =	vpop (xrf2)  }
0x39: {  	v14 =	vld [tilespmem:s1+$0x11];
	(xrf2) =	vadd.scan.msk.f32 $0xffff, v6;
	v6 =	vsub.f32 $0.0e+00, v13  }
0x3a: {  	v15 =	vld [tilespmem:s1+$0xFFFFFFE0]  }
0x3b: {  	v16 =	vld [tilespmem:s1+$0xFFFFFFE1]  }
0x3c: {  	v17 =	vld [tilespmem:s1+$0xFFFFFFF0];
	(xrf2) =	vadd.scan.msk.f32 $0xffff, v11  }
0x3d: {  	v11 =	vld [tilespmem:s1+$0xFFFFFFF1]  }
0x3e: {  	v18 =	vld [tilespmem:s1+$0x0];
	vm7 =	vne.s32 v12, v14  }
0x3f: {  	v19 =	vld [tilespmem:s1+$0x1];
	vm8 =	vmor vm7, vm0;
	(xrf2) =	vadd.scan.msk.f32 $0xffff, v7  }
0x40: {  	vm7 =	vmand vm7, vm1;
	vm9 =	vne.s32 v15, v16;
	[tilespmem:v0+s0+$0x0] =	vst.idx.add.f32.msk vm2, v5;
	v0 =	vmov v16  }
0x41: {  	vm10 =	vmor vm9, vm0;
	vm2 =	vmand vm9, vm1;
	[tilespmem:v1+s0+$0x0] =	vst.idx.add.f32.msk vm5, v8;
	v1 =	vmov v17  }
0x42: {  	vm9 =	vne.s32 v1, v11;
	(xrf2) =	vadd.scan.msk.f32 $0xffff, v9;
	[tilespmem:v2+s0+$0x0] =	vst.idx.add.f32.msk vm3, v10;
	v2 =	vmov v11  }
.Ltmp1:
0x43: {  	vm5 =	vmor vm9, vm0;
	vm3 =	vmand vm9, vm1;
	v5, _, _ =	vpop (xrf2);
	[tilespmem:v3+s0+$0x0] =	vst.idx.add.f32.msk vm6, v13;
	v3 =	vmov v18;
	(pc) =	sbr.rel @p0 .LBB2_3-.Ltmp1, $4  }
0x44: {  	vm9 =	vne.s32 v3, v19;
	v7 =	vsub.f32 $0.0e+00, v5;
	[tilespmem:v4+s0+$0x0] =	vst.idx.add.f32.msk vm4, v6;
	v4 =	vmov v19  }
0x45: {  	vm6 =	vmor vm9, vm0;
	vm4 =	vmand vm9, vm1;
	[tilespmem:v12+s0+$0x0] =	vst.idx.add.f32.msk vm8, v5  }
0x46: {  	[tilespmem:v14+s0+$0x0] =	vst.idx.add.f32.msk vm7, v7;
	v5, _, _ =	vpop (xrf2)  }
0x47: {  	s4 =	sadd.s32 $0x40, s4;
	[tilespmem:v15+s0+$0x0] =	vst.idx.add.f32.msk vm10, v5;
	v5 =	vsub.f32 $0.0e+00, v5  }
0x48: {  	_ =	sdelay $0x3  }
0x49: {  	v6, _, _ =	vpop (xrf2)  }
0x4a: {  	[tilespmem:v0+s0+$0x0] =	vst.idx.add.f32.msk vm2, v5;
	v7 =	vsub.f32 $0.0e+00, v6  }
0x4b: {  	[tilespmem:v1+s0+$0x0] =	vst.idx.add.f32.msk vm5, v6;
	v62, _, _ =	vpop (xrf2)  }
0x4c: {  	[tilespmem:v2+s0+$0x0] =	vst.idx.add.f32.msk vm3, v7;
	v63 =	vsub.f32 $0.0e+00, v62  }
0x4d: {  	[tilespmem:v3+s0+$0x0] =	vst.idx.add.f32.msk vm6, v62  }
0x4e: {  	s1 =	simm.s32 $0x9D00;
	[tilespmem:v4+s0+$0x0] =	vst.idx.add.f32.msk vm4, v63;
	s0 =	simm.s32 $0x0  }
.LBB2_5:
0x4f: {  	s2 =	sshra.s32 s0, $0x2  }
0x50: {  	v0 =	vld [tilespmem:s2+$0x4E00];
	_ =	sdelay $0x3  }
0x51: {  	v1 =	vld [tilespmem:s2+$0x9C80]  }
0x52: {  	v2 =	vld [tilespmem:s2+$0x9C81];
	(xrf2) =	vadd.scan.msk.f32 $0xffff, v0;
	_ =	sdelay $0x4  }
0x53: {  	vm2 =	vne.s32 v1, v2  }
0x54: {  	vm3 =	vmor vm2, vm0  }
0x55: {  	vm2 =	vmand vm2, vm1  }
0x56: {  	p0 =	sne.s32 s0, $0x40  }
.Ltmp2:
0x57: {  	_ = 	snop;
	(pc) =	sbr.rel @p0 .LBB2_5-.Ltmp2, $4  }
0x58: {  	v0, _, _ =	vpop (xrf2)  }
0x59: {  	v3 =	vsub.f32 $0.0e+00, v0  }
0x5a: {  	[tilespmem:v1+s1+$0x0] =	vst.idx.add.f32.msk vm3, v0  }
0x5b: {  	s0 =	sadd.s32 $0x40, s0;
	[tilespmem:v2+s1+$0x0] =	vst.idx.add.f32.msk vm2, v3  }
0x5c: {  	s0 =	sshrl.u32 s6, $0x3  }
0x5d: {  	s0 =	smul.u32 $0x50000, s0;
	_ =	sdelay $0x1  }
0x5e: {  	s1 =	sshll.u32 s6, $0x7;
	s24 =	simm.s32 $0x80;
	s0 =	sshrl.u32 s0, $0x2  }
0x5f: {  	s2 =	simm.s32 $0x400;
	s1 =	sand.u32 $0x380, s1;
	s0 =	sadd.s32 s0, s3  }
0x60: {  	s4 =	simm.s32 $0x9D00;
	s25 =	simm.s32 $0x3;
	s0 =	sadd.s32 s1, s0  }
0x61: {  	[spmem:s0] =	stream.strided.scatter [tilespmem:s4], [sflag:$0x3], $0x2800, s2, s24, $0x38;
	[tilespmem:$0x11780] =	vst v63  }
0x62: {  	s26 =	smul.u32 $0x5000, s6;
	_ =	swait.ge [sflag:s25], $0x2800  }
0x63: {  	s28 =	simm.s32 $0x1400;
	s29 =	simm.s32 $0x14000;
	[sflag:s25] =	ssyncset.done $0x0  }
0x64: {  	s30 =	simm.s32 $0xC780;
	s0 =	sshrl.u32 s26, $0x2;
	[sflag:s25] =	ssyncadd.s32 $0xFFFFD800  }
0x65: {  	s4 =	simm.s32 $0x0;
	s0 =	sadd.s32 s0, s3;
	[bflag:$0x0] =	sbarrier.arrive $0xFFFF  }
0x66: {  	[tilespmem:s30], [sflag:$0x3] =	stream.strided.gather [spmem:s0], $0x2800, s29, s28, $0x38;
	[tilespmem:$0x11780] =	vst v63  }
0x67: {  	s31 =	sand.u32 $0x1C00, s4;
	s0 =	sand.u32 $0x40, s4;
	_ =	swait.ge [sflag:s25], $0x2800  }
0x68: {  	s7 =	sadd.s32 $0xC780, s31;
	s3 =	sor.u32 $0x30, s0;
	[sflag:s25] =	ssyncset.done $0x0  }
0x69: {  	s15 =	sor.u32 s3, s7;
	[sflag:s25] =	ssyncadd.s32 $0xFFFFD800  }
0x6a: {  	v9 =	vld [tilespmem:s15+$0x0]  }
0x6b: {  	s8 =	sor.u32 s0, s7;
	v10 =	vld [tilespmem:s15+$0x80]  }
0x6c: {  	v11 =	vld [tilespmem:s8+$0x0]  }
0x6d: {  	v12 =	vld [tilespmem:s15+$0x100]  }
0x6e: {  	s5 =	sor.u32 $0x10, s0;
	v13 =	vld [tilespmem:s8+$0x80]  }
0x6f: {  	s9 =	sor.u32 s5, s7;
	v14 =	vld [tilespmem:s15+$0x180]  }
0x70: {  	v15 =	vld [tilespmem:s9+$0x0]  }
0x71: {  	v16 =	vld [tilespmem:s15+$0x200]  }
0x72: {  	s6 =	sor.u32 $0x20, s0;
	v17 =	vld [tilespmem:s9+$0x80]  }
0x73: {  	s7 =	sor.u32 s6, s7;
	v18 =	vld [tilespmem:s15+$0x280]  }
0x74: {  	v19 =	vld [tilespmem:s7+$0x0]  }
0x75: {  	v20 =	vld [tilespmem:s15+$0x300]  }
0x76: {  	v21 =	vld [tilespmem:s7+$0x80]  }
0x77: {  	s10 =	sadd.s32 $0xDB80, s31;
	v8 =	vld [tilespmem:s15+$0x380]  }
0x78: {  	s16 =	sor.u32 s3, s10;
	v22 =	vld [tilespmem:s8+$0x100]  }
0x79: {  	s11 =	sadd.s32 $0xDC00, s31;
	v7 =	vld [tilespmem:s16+$0x0]  }
0x7a: {  	s17 =	sor.u32 s3, s11;
	v23 =	vld [tilespmem:s9+$0x100]  }
0x7b: {  	s12 =	sadd.s32 $0xDC80, s31;
	v2 =	vld [tilespmem:s17+$0x0]  }
0x7c: {  	s18 =	sor.u32 s3, s12;
	v24 =	vld [tilespmem:s7+$0x100]  }
0x7d: {  	s13 =	sadd.s32 $0xDD00, s31;
	v6 =	vld [tilespmem:s18+$0x0]  }
0x7e: {  	s19 =	sor.u32 s3, s13;
	v25 =	vld [tilespmem:s8+$0x180];
	s16 =	sadd.s32 $0xDE80, s31  }
0x7f: {  	v5 =	vld [tilespmem:s19+$0x0];
	s17 =	sor.u32 s3, s16  }
0x80: {  	s14 =	sadd.s32 $0xDD80, s31;
	v0 =	vld [tilespmem:s17+$0x0]  }
0x81: {  	s20 =	sor.u32 s3, s14;
	v26 =	vld [tilespmem:s9+$0x180]  }
0x82: {  	v4 =	vld [tilespmem:s20+$0x0]  }
0x83: {  	s15 =	sadd.s32 $0xDE00, s31;
	v27 =	vld [tilespmem:s7+$0x180]  }
0x84: {  	s1 =	sadd.s32 $0xDF00, s31;
	v28 =	vld [tilespmem:s8+$0x200];
	s21 =	sor.u32 s3, s15  }
0x85: {  	s2 =	sor.u32 s3, s1;
	v3 =	vld [tilespmem:s21+$0x0];
	[tilespmem:$0x1FFE0] =	vst v0  }
0x86: {  	v0 =	vld [tilespmem:s2+$0x0];
	_ =	sdelay $0x4  }
0x87: {  	v29 =	vld [tilespmem:s9+$0x200];
	[tilespmem:$0x1FFF0] =	vst v0  }
0x88: {  	v30 =	vld [tilespmem:s7+$0x200]  }
0x89: {  	v31 =	vld [tilespmem:s8+$0x280]  }
0x8a: {  	v32 =	vld [tilespmem:s9+$0x280]  }
0x8b: {  	v33 =	vld [tilespmem:s7+$0x280]  }
0x8c: {  	v34 =	vld [tilespmem:s8+$0x300]  }
0x8d: {  	v35 =	vld [tilespmem:s9+$0x300]  }
0x8e: {  	v36 =	vld [tilespmem:s7+$0x300]  }
0x8f: {  	v37 =	vld [tilespmem:s8+$0x380]  }
0x90: {  	v38 =	vld [tilespmem:s9+$0x380]  }
0x91: {  	s22 =	sor.u32 s0, s10;
	v39 =	vld [tilespmem:s7+$0x380]  }
0x92: {  	s23 =	sor.u32 s5, s10;
	v40 =	vld [tilespmem:s22+$0x0]  }
0x93: {  	s24 =	sor.u32 s6, s10;
	v41 =	vld [tilespmem:s23+$0x0]  }
0x94: {  	s25 =	sor.u32 s0, s11;
	v42 =	vld [tilespmem:s24+$0x0]  }
0x95: {  	s26 =	sor.u32 s5, s11;
	v43 =	vld [tilespmem:s25+$0x0]  }
0x96: {  	s28 =	sor.u32 s6, s11;
	v44 =	vld [tilespmem:s26+$0x0]  }
0x97: {  	s29 =	sor.u32 s0, s12;
	v45 =	vld [tilespmem:s28+$0x0]  }
0x98: {  	s30 =	sor.u32 s5, s12;
	v46 =	vld [tilespmem:s29+$0x0]  }
0x99: {  	s31 =	sor.u32 s6, s12;
	v47 =	vld [tilespmem:s30+$0x0]  }
0x9a: {  	s10 =	sor.u32 s6, s13;
	v48 =	vld [tilespmem:s31+$0x0]  }
0x9b: {  	s11 =	sor.u32 s0, s14;
	v51 =	vld [tilespmem:s10+$0x0]  }
0x9c: {  	s12 =	sor.u32 s5, s14;
	v52 =	vld [tilespmem:s11+$0x0]  }
0x9d: {  	s17 =	sor.u32 s5, s15;
	v53 =	vld [tilespmem:s12+$0x0]  }
0x9e: {  	s18 =	sor.u32 s6, s15;
	v56 =	vld [tilespmem:s17+$0x0]  }
0x9f: {  	s19 =	sor.u32 s0, s16;
	v57 =	vld [tilespmem:s18+$0x0]  }
0xa0: {  	s20 =	sor.u32 s5, s16;
	v58 =	vld [tilespmem:s19+$0x0]  }
0xa1: {  	s21 =	sor.u32 s6, s16;
	v9 =	vadd.f32 v10, v9;
	v59 =	vld [tilespmem:s20+$0x0]  }
0xa2: {  	s8 =	sor.u32 s0, s13;
	v60 =	vld [tilespmem:s21+$0x0]  }
0xa3: {  	v9 =	vadd.f32 v12, v9;
	s9 =	sor.u32 s5, s13;
	v49 =	vld [tilespmem:s8+$0x0]  }
0xa4: {  	s13 =	sor.u32 s6, s14;
	v50 =	vld [tilespmem:s9+$0x0]  }
0xa5: {  	v9 =	vadd.f32 v14, v9;
	s14 =	sor.u32 s0, s15;
	v54 =	vld [tilespmem:s13+$0x0]  }
0xa6: {  	v15 =	vadd.f32 v17, v15;
	s0 =	sor.u32 s0, s1;
	s22 =	simm.s32 $0x200;
	v55 =	vld [tilespmem:s14+$0x0]  }
0xa7: {  	v9 =	vadd.f32 v16, v9;
	s23 =	sor.u32 s5, s1;
	s8 =	simm.s32 $0x40;
	s2 =	sand.u32 $0x1C00, s22;
	v61 =	vld [tilespmem:s0+$0x0]  }
0xa8: {  	v15 =	vadd.f32 v23, v15;
	s1 =	sor.u32 s6, s1;
	v62 =	vld [tilespmem:s23+$0x0];
	s9 =	sand.u32 $0x40, s8;
	s24 =	sadd.s32 $0xC780, s2  }
0xa9: {  	v9 =	vadd.f32 v18, v9;
	v18 =	vadd.f32 v21, v19;
	v63 =	vld [tilespmem:s1+$0x0];
	s26 =	sor.u32 s9, s24  }
0xaa: {  	v26 =	vadd.f32 v26, v15;
	v1 =	vld [tilespmem:s26+$0x0]  }
0xab: {  	v18 =	vadd.f32 v24, v18;
	v24 =	vld [tilespmem:s26+$0x80]  }
0xac: {  	v29 =	vadd.f32 v29, v26;
	s7 =	sor.u32 $0x30, s9;
	v26 =	vld [tilespmem:s26+$0x100]  }
0xad: {  	v18 =	vadd.f32 v27, v18;
	s25 =	sor.u32 s7, s24;
	v27 =	vld [tilespmem:s26+$0x180]  }
0xae: {  	v0 =	vld [tilespmem:s25+$0x0]  }
0xaf: {  	v12 =	vld [tilespmem:s25+$0x80]  }
0xb0: {  	v14 =	vld [tilespmem:s25+$0x100]  }
0xb1: {  	v10 =	vld [tilespmem:s25+$0x180]  }
0xb2: {  	v11 =	vadd.f32 v13, v11;
	v16 =	vld [tilespmem:s25+$0x200]  }
0xb3: {  	v13 =	vld [tilespmem:s25+$0x280]  }
0xb4: {  	v11 =	vadd.f32 v22, v11;
	s18 =	sadd.s32 $0xDB80, s2;
	v17 =	vld [tilespmem:s25+$0x300]  }
0xb5: {  	v9 =	vadd.f32 v20, v9;
	s29 =	sadd.s32 $0xDC00, s2;
	s28 =	sor.u32 s7, s18;
	v19 =	vld [tilespmem:s25+$0x380]  }
0xb6: {  	v11 =	vadd.f32 v25, v11;
	s16 =	sadd.s32 $0xDC80, s2;
	s30 =	sor.u32 s7, s29;
	v20 =	vld [tilespmem:s28+$0x0]  }
0xb7: {  	s15 =	sadd.s32 $0xDD00, s2;
	v8 =	vadd.f32 v8, v9;
	s31 =	sor.u32 s7, s16;
	v21 =	vld [tilespmem:s30+$0x0]  }
0xb8: {  	v28 =	vadd.f32 v28, v11;
	s14 =	sadd.s32 $0xDD80, s2;
	s11 =	sor.u32 s7, s15;
	v15 =	vld [tilespmem:s31+$0x0]  }
0xb9: {  	s13 =	sadd.s32 $0xDE00, s2;
	s12 =	sor.u32 s7, s14;
	v11 =	vld [tilespmem:s11+$0x0];
	v7 =	vadd.f32 v7, v8  }
0xba: {  	s19 =	sor.u32 s7, s13;
	v9 =	vld [tilespmem:s12+$0x0];
	v18 =	vadd.f32 v30, v18;
	v22 =	vadd.f32 v31, v28  }
0xbb: {  	v8 =	vld [tilespmem:s19+$0x0];
	v23 =	vadd.f32 v32, v29;
	v31 =	vadd.f32 v2, v7  }
0xbc: {  	v28 =	vld [tilespmem:s26+$0x200];
	v18 =	vadd.f32 v33, v18;
	v22 =	vadd.f32 v34, v22  }
0xbd: {  	s11 =	sadd.s32 $0xDE80, s2;
	v30 =	vld [tilespmem:s26+$0x280];
	v23 =	vadd.f32 v35, v23;
	v6 =	vadd.f32 v6, v31  }
0xbe: {  	s10 =	sadd.s32 $0xDF00, s2;
	v32 =	vld [tilespmem:s26+$0x300];
	s20 =	sor.u32 s7, s11;
	v18 =	vadd.f32 v36, v18;
	v22 =	vadd.f32 v37, v22  }
0xbf: {  	s2 =	sor.u32 s7, s10;
	s12 =	sor.u32 $0x10, s9;
	v7 =	vld [tilespmem:s20+$0x0];
	v1 =	vadd.f32 v24, v1;
	v0 =	vadd.f32 v12, v0  }
0xc0: {  	s21 =	sor.u32 s12, s24;
	v2 =	vld [tilespmem:s2+$0x0];
	v5 =	vadd.f32 v5, v6;
	v6 =	vadd.f32 v38, v23  }
0xc1: {  	v25 =	vld [tilespmem:s21+$0x0];
	v18 =	vadd.f32 v39, v18;
	v22 =	vadd.f32 v40, v22  }
0xc2: {  	v34 =	vld [tilespmem:$0x1FFE0];
	v1 =	vadd.f32 v26, v1;
	v0 =	vadd.f32 v14, v0  }
0xc3: {  	v29 =	vld [tilespmem:s21+$0x200];
	v4 =	vadd.f32 v4, v5;
	v5 =	vadd.f32 v41, v6  }
0xc4: {  	s19 =	sor.u32 $0x20, s9;
	v23 =	vld [tilespmem:s21+$0x80];
	v18 =	vadd.f32 v42, v18;
	v22 =	vadd.f32 v43, v22  }
0xc5: {  	s0 =	sor.u32 s19, s24;
	v35 =	vld [tilespmem:$0x1FFF0];
	v1 =	vadd.f32 v27, v1;
	v0 =	vadd.f32 v10, v0  }
0xc6: {  	v41 =	vld [tilespmem:s0+$0x0];
	v3 =	vadd.f32 v3, v4;
	v4 =	vadd.f32 v44, v5  }
0xc7: {  	v42 =	vld [tilespmem:s0+$0x80];
	v18 =	vadd.f32 v45, v18;
	v22 =	vadd.f32 v46, v22  }
0xc8: {  	v6 =	vld [tilespmem:s21+$0x100];
	v1 =	vadd.f32 v28, v1;
	v0 =	vadd.f32 v16, v0  }
0xc9: {  	v31 =	vld [tilespmem:s21+$0x280];
	v23 =	vadd.f32 v23, v25;
	v3 =	vadd.f32 v34, v3  }
0xca: {  	v36 =	vld [tilespmem:s26+$0x380];
	v4 =	vadd.f32 v47, v4;
	v18 =	vadd.f32 v48, v18  }
0xcb: {  	v43 =	vld [tilespmem:s0+$0x100];
	v22 =	vadd.f32 v49, v22;
	v1 =	vadd.f32 v30, v1  }
0xcc: {  	v5 =	vld [tilespmem:s21+$0x180];
	v0 =	vadd.f32 v13, v0;
	v10 =	vadd.f32 v42, v41  }
0xcd: {  	v37 =	vld [tilespmem:s21+$0x300];
	v6 =	vadd.f32 v6, v23;
	v3 =	vadd.f32 v35, v3  }
0xce: {  	v38 =	vld [tilespmem:s21+$0x380];
	v4 =	vadd.f32 v50, v4;
	v18 =	vadd.f32 v51, v18  }
0xcf: {  	v44 =	vld [tilespmem:s0+$0x180];
	v22 =	vadd.f32 v52, v22;
	v1 =	vadd.f32 v32, v1  }
0xd0: {  	s22 =	sor.u32 s9, s18;
	v45 =	vld [tilespmem:s0+$0x200];
	v0 =	vadd.f32 v17, v0;
	v10 =	vadd.f32 v43, v10  }
0xd1: {  	v49 =	vld [tilespmem:s22+$0x0];
	v5 =	vadd.f32 v5, v6;
	v4 =	vadd.f32 v53, v4  }
0xd2: {  	v46 =	vld [tilespmem:s0+$0x280];
	v18 =	vadd.f32 v54, v18;
	v22 =	vadd.f32 v55, v22  }
0xd3: {  	v47 =	vld [tilespmem:s0+$0x300];
	v1 =	vadd.f32 v36, v1;
	v0 =	vadd.f32 v19, v0  }
0xd4: {  	s23 =	sor.u32 s12, s18;
	v48 =	vld [tilespmem:s0+$0x380];
	v6 =	vadd.f32 v44, v10;
	v5 =	vadd.f32 v29, v5  }
0xd5: {  	s24 =	sor.u32 s19, s18;
	v50 =	vld [tilespmem:s23+$0x0];
	v4 =	vadd.f32 v56, v4;
	v39 =	vadd.f32 v57, v18  }
0xd6: {  	s25 =	sor.u32 s9, s29;
	v51 =	vld [tilespmem:s24+$0x0];
	v40 =	vadd.f32 v58, v22;
	v1 =	vadd.f32 v49, v1  }
0xd7: {  	s26 =	sor.u32 s12, s29;
	v52 =	vld [tilespmem:s25+$0x0];
	v0 =	vadd.f32 v20, v0;
	v6 =	vadd.f32 v45, v6  }
0xd8: {  	s28 =	sor.u32 s19, s29;
	v53 =	vld [tilespmem:s26+$0x0];
	v5 =	vadd.f32 v31, v5;
	v4 =	vadd.f32 v59, v4  }
0xd9: {  	s29 =	sor.u32 s9, s16;
	v54 =	vld [tilespmem:s28+$0x0];
	v14 =	vadd.f32 v60, v39;
	v0 =	vadd.f32 v21, v0  }
0xda: {  	s30 =	sor.u32 s12, s16;
	v55 =	vld [tilespmem:s29+$0x0];
	v18 =	vadd.f32 v61, v40;
	v6 =	vadd.f32 v46, v6  }
0xdb: {  	s31 =	sor.u32 s19, s16;
	v56 =	vld [tilespmem:s30+$0x0];
	v5 =	vadd.f32 v37, v5;
	v0 =	vadd.f32 v15, v0  }
0xdc: {  	s1 =	sor.u32 s9, s15;
	v57 =	vld [tilespmem:s31+$0x0];
	v1 =	vadd.f32 v52, v1;
	v6 =	vadd.f32 v47, v6  }
0xdd: {  	s2 =	sor.u32 s12, s15;
	v58 =	vld [tilespmem:s1+$0x0];
	v5 =	vadd.f32 v38, v5;
	v0 =	vadd.f32 v11, v0  }
0xde: {  	s15 =	sor.u32 s19, s15;
	v59 =	vld [tilespmem:s2+$0x0];
	v4 =	vadd.f32 v62, v4;
	v6 =	vadd.f32 v48, v6  }
0xdf: {  	s16 =	sor.u32 s9, s14;
	v60 =	vld [tilespmem:s15+$0x0];
	v5 =	vadd.f32 v50, v5;
	v0 =	vadd.f32 v9, v0  }
0xe0: {  	s18 =	sor.u32 s12, s14;
	v61 =	vld [tilespmem:s16+$0x0];
	v14 =	vadd.f32 v63, v14;
	v6 =	vadd.f32 v51, v6  }
0xe1: {  	s17 =	sand.u32 $0x380, s4;
	s4 =	simm.s32 $0x4;
	s24 =	sor.u32 s9, s13;
	v62 =	vld [tilespmem:s18+$0x0];
	v5 =	vadd.f32 v53, v5;
	v0 =	vadd.f32 v8, v0  }
0xe2: {  	s20 =	sadd.s32 $0xC500, s17;
	s17 =	sor.u32 s9, s10;
	s21 =	sor.u32 s19, s14;
	v1 =	vadd.f32 v55, v1;
	v63 =	vld [tilespmem:s24+$0x0];
	v6 =	vadd.f32 v54, v6  }
0xe3: {  	s22 =	sor.u32 s5, s20;
	s0 =	sor.u32 s3, s20;
	s25 =	sor.u32 s12, s13;
	v8 =	vld [tilespmem:s21+$0x0];
	v5 =	vadd.f32 v56, v5;
	v7 =	vadd.f32 v7, v0  }
0xe4: {  	s3 =	simm.s32 $0xC500;
	[tilespmem:s0+$0x0] =	vst v3;
	s26 =	sor.u32 s19, s13;
	s31 =	sand.u32 $0x380, s8;
	v3 =	vadd.f32 v57, v6;
	v6 =	vadd.f32 v58, v1;
	v1 =	vld [tilespmem:s25+$0x0]  }
0xe5: {  	s23 =	sor.u32 s6, s20;
	s28 =	sor.u32 s9, s11;
	s2 =	sadd.s32 $0xC500, s31;
	[tilespmem:s22+$0x0] =	vst v4;
	v0 =	vld [tilespmem:s26+$0x0];
	v5 =	vadd.f32 v59, v5;
	v4 =	vadd.f32 v2, v7  }
0xe6: {  	s29 =	sor.u32 s12, s11;
	s30 =	sor.u32 s19, s11;
	s13 =	sor.u32 s12, s2;
	[tilespmem:s3+$0x0] =	vst v18;
	v9 =	vadd.f32 v60, v3;
	v10 =	vadd.f32 v61, v6;
	v2 =	vld [tilespmem:s28+$0x0]  }
0xe7: {  	s18 =	sor.u32 s12, s10;
	s12 =	sor.u32 s19, s2;
	s2 =	sor.u32 s7, s2;
	[tilespmem:s23+$0x0] =	vst v14;
	v7 =	vadd.f32 v62, v5;
	v3 =	vld [tilespmem:s29+$0x0]  }
0xe8: {  	s5 =	simm.s32 $0x400;
	s6 =	simm.s32 $0x80;
	s16 =	sor.u32 s19, s10;
	[tilespmem:s2+$0x0] =	vst v4;
	v6 =	vadd.f32 v8, v9;
	v5 =	vadd.f32 v63, v10;
	v4 =	vld [tilespmem:s30+$0x0]  }
.LBB2_7:
0xe9: {  	s15 =	sand.u32 $0x40, s6;
	s19 =	sand.u32 $0x1C00, s5;
	v8 =	vld [tilespmem:s17+$0x0]  }
0xea: {  	s0 =	sadd.s32 $0xC780, s19;
	s7 =	sor.u32 $0x30, s15;
	v1 =	vadd.f32 v1, v7;
	v7 =	vld [tilespmem:s18+$0x0]  }
0xeb: {  	s1 =	sor.u32 s7, s0;
	v2 =	vadd.f32 v2, v5;
	v5 =	vld [tilespmem:s16+$0x0]  }
0xec: {  	v0 =	vadd.f32 v0, v6;
	v6 =	vld [tilespmem:s1+$0x0]  }
0xed: {  	s10 =	sor.u32 s15, s0;
	v1 =	vadd.f32 v3, v1;
	v3 =	vld [tilespmem:s1+$0x80]  }
0xee: {  	v0 =	vadd.f32 v4, v0;
	v4 =	vld [tilespmem:s10+$0x0]  }
0xef: {  	v2 =	vadd.f32 v8, v2;
	v8 =	vld [tilespmem:s1+$0x100]  }
0xf0: {  	s3 =	sadd.s32 $0x40, s3;
	v1 =	vadd.f32 v7, v1;
	v7 =	vld [tilespmem:s10+$0x80]  }
0xf1: {  	[tilespmem:s3+$0x0] =	vst v2;
	v0 =	vadd.f32 v5, v0;
	v2 =	vld [tilespmem:s1+$0x180]  }
0xf2: {  	v62 =	vld [tilespmem:s10+$0x300]  }
0xf3: {  	s11 =	sor.u32 $0x10, s15;
	[tilespmem:s12+$0x0] =	vst v0;
	v0 =	vld [tilespmem:s1+$0x200]  }
0xf4: {  	s8 =	sor.u32 s11, s0;
	[tilespmem:s13+$0x0] =	vst v1;
	v3 =	vadd.f32 v3, v6;
	v6 =	vld [tilespmem:s1+$0x280]  }
0xf5: {  	v1 =	vld [tilespmem:s8+$0x0]  }
0xf6: {  	s14 =	sor.u32 $0x20, s15;
	v5 =	vld [tilespmem:s8+$0x80]  }
0xf7: {  	s9 =	sor.u32 s14, s0;
	v9 =	vld [tilespmem:s8+$0x100];
	v3 =	vadd.f32 v8, v3  }
0xf8: {  	v8 =	vld [tilespmem:s9+$0x80]  }
0xf9: {  	v4 =	vadd.f32 v7, v4;
	v7 =	vld [tilespmem:s9+$0x0];
	v2 =	vadd.f32 v2, v3  }
0xfa: {  	v3 =	vld [tilespmem:s1+$0x300]  }
0xfb: {  	v0 =	vadd.f32 v0, v2;
	v2 =	vld [tilespmem:s1+$0x380]  }
0xfc: {  	s28 =	sadd.s32 $0xDB80, s19;
	v1 =	vadd.f32 v5, v1;
	v5 =	vld [tilespmem:s10+$0x100]  }
0xfd: {  	s31 =	sor.u32 s7, s28;
	v60 =	vld [tilespmem:s8+$0x180];
	v0 =	vadd.f32 v6, v0  }
0xfe: {  	s2 =	sadd.s32 $0xDC00, s19;
	v6 =	vld [tilespmem:s31+$0x0]  }
0xff: {  	s13 =	sor.u32 s7, s2;
	v0 =	vadd.f32 v3, v0;
	v3 =	vadd.f32 v8, v7;
	v8 =	vld [tilespmem:s9+$0x100]  }
0x100: {  	s16 =	sadd.s32 $0xDC80, s19;
	v7 =	vld [tilespmem:s13+$0x0]  }
0x101: {  	s20 =	sadd.s32 $0xDD00, s19;
	s22 =	sadd.s32 $0xDD80, s19;
	s18 =	sor.u32 s7, s16;
	v0 =	vadd.f32 v2, v0;
	v2 =	vadd.f32 v5, v4;
	v5 =	vld [tilespmem:s10+$0x180]  }
0x102: {  	s29 =	sor.u32 s15, s28;
	s30 =	sor.u32 s11, s28;
	s21 =	sor.u32 s7, s20;
	v4 =	vld [tilespmem:s18+$0x0]  }
0x103: {  	s0 =	sor.u32 s14, s28;
	s25 =	sor.u32 s14, s20;
	s12 =	sor.u32 s11, s2;
	v0 =	vadd.f32 v6, v0;
	v6 =	vld [tilespmem:s21+$0x0]  }
0x104: {  	s23 =	sor.u32 s15, s22;
	[dreg:$0x5] =	wrdreg s12;
	s12 =	sor.u32 s7, s22;
	v3 =	vadd.f32 v8, v3;
	v8 =	vld [tilespmem:s9+$0x180]  }
0x105: {  	s24 =	sor.u32 s11, s22;
	[dreg:$0x4] =	wrdreg s30;
	s28 =	sor.u32 s15, s16;
	v0 =	vadd.f32 v7, v0;
	v7 =	vld [tilespmem:s12+$0x0]  }
0x106: {  	s17 =	sor.u32 s11, s16;
	s30 =	sor.u32 s14, s16;
	s13 =	sadd.s32 $0xDE00, s19;
	v2 =	vadd.f32 v5, v2;
	v5 =	vld [tilespmem:s10+$0x200]  }
0x107: {  	[dreg:$0x9] =	wrdreg s17;
	s17 =	sadd.s32 $0xDE80, s19;
	v61 =	vld [tilespmem:s8+$0x200];
	s16 =	sor.u32 s7, s13;
	v0 =	vadd.f32 v4, v0  }
0x108: {  	[dreg:$0x7] =	wrdreg s29;
	s1 =	sor.u32 s15, s2;
	s18 =	sor.u32 s7, s17;
	v4 =	vld [tilespmem:s16+$0x0]  }
0x109: {  	s29 =	sor.u32 s11, s20;
	[dreg:$0x8] =	wrdreg s1;
	s31 =	sor.u32 s15, s20;
	v0 =	vadd.f32 v6, v0;
	v6 =	vld [tilespmem:s18+$0x0]  }
0x10a: {  	v1 =	vadd.f32 v9, v1;
	s20 =	sor.u32 s15, s13;
	s1 =	sor.u32 s14, s13;
	s16 =	sadd.s32 $0xDF00, s19;
	v3 =	vadd.f32 v8, v3;
	v8 =	vld [tilespmem:s9+$0x200]  }
0x10b: {  	s21 =	sor.u32 s14, s22;
	s22 =	sor.u32 s11, s13;
	s13 =	sor.u32 s7, s16;
	v0 =	vadd.f32 v7, v0;
	v2 =	vadd.f32 v5, v2;
	v5 =	vld [tilespmem:s8+$0x280]  }
0x10c: {  	v1 =	vadd.f32 v60, v1;
	v7 =	vld [tilespmem:s13+$0x0]  }
0x10d: {  	v0 =	vadd.f32 v4, v0;
	v4 =	vld [tilespmem:s10+$0x280]  }
0x10e: {  	s26 =	sor.u32 s14, s2;
	v1 =	vadd.f32 v61, v1;
	v63 =	vld [tilespmem:s20+$0x0]  }
0x10f: {  	[dreg:$0x6] =	wrdreg s0;
	s0 =	sor.u32 s15, s17;
	s2 =	sor.u32 s11, s17;
	v0 =	vadd.f32 v6, v0;
	v6 =	vld [tilespmem:s9+$0x280]  }
0x110: {  	s19 =	sor.u32 s14, s17;
	s17 =	sor.u32 s15, s16;
	s15 =	sand.u32 $0x380, s6;
	v1 =	vadd.f32 v5, v1;
	v5 =	vld [tilespmem:s8+$0x380]  }
0x111: {  	s15 =	sadd.s32 $0xC500, s15;
	v0 =	vadd.f32 v7, v0;
	v7 =	vld [tilespmem:s8+$0x300]  }
0x112: {  	s7 =	sor.u32 s7, s15;
	v3 =	vadd.f32 v8, v3;
	v2 =	vadd.f32 v4, v2;
	v4 =	vld [tilespmem:s9+$0x300]  }
0x113: {  	[tilespmem:s7+$0x0] =	vst v0;
	v0 =	vld [tilespmem:s10+$0x380]  }
0x114: {  	v3 =	vadd.f32 v6, v3;
	v6 =	vld [tilespmem:s9+$0x380];
	s9 =	rddreg [dreg:$0x7]  }
0x115: {  	s18 =	sor.u32 s11, s16;
	s10 =	rddreg [dreg:$0x4];
	v8 =	vld [tilespmem:s9+$0x0]  }
0x116: {  	s16 =	sor.u32 s14, s16;
	s12 =	sor.u32 s14, s15;
	s14 =	rddreg [dreg:$0x8];
	v2 =	vadd.f32 v62, v2;
	v1 =	vadd.f32 v7, v1;
	v7 =	vld [tilespmem:s10+$0x0]  }
0x117: {  	s13 =	sor.u32 s11, s15;
	s11 =	rddreg [dreg:$0x6];
	v3 =	vadd.f32 v4, v3;
	v4 =	vld [tilespmem:s14+$0x0]  }
0x118: {  	s15 =	rddreg [dreg:$0x5];
	v0 =	vadd.f32 v0, v2;
	v2 =	vld [tilespmem:s11+$0x0]  }
0x119: {  	v1 =	vadd.f32 v5, v1;
	v5 =	vld [tilespmem:s15+$0x0]  }
0x11a: {  	v3 =	vadd.f32 v6, v3;
	v6 =	vld [tilespmem:s26+$0x0]  }
0x11b: {  	v0 =	vadd.f32 v8, v0;
	v8 =	vld [tilespmem:s28+$0x0];
	s28 =	rddreg [dreg:$0x9]  }
0x11c: {  	v1 =	vadd.f32 v7, v1;
	v7 =	vld [tilespmem:s28+$0x0]  }
0x11d: {  	v0 =	vadd.f32 v4, v0;
	v4 =	vld [tilespmem:s31+$0x0]  }
0x11e: {  	v2 =	vadd.f32 v2, v3;
	v3 =	vld [tilespmem:s30+$0x0]  }
0x11f: {  	v1 =	vadd.f32 v5, v1;
	v5 =	vld [tilespmem:s29+$0x0]  }
0x120: {  	v0 =	vadd.f32 v8, v0;
	v8 =	vld [tilespmem:s23+$0x0]  }
0x121: {  	v2 =	vadd.f32 v6, v2;
	v6 =	vld [tilespmem:s25+$0x0]  }
0x122: {  	s4 =	sadd.s32 $0x4, s4;
	v1 =	vadd.f32 v7, v1;
	v7 =	vld [tilespmem:s24+$0x0]  }
0x123: {  	p0 =	slt.u32 s4, $0x24;
	v0 =	vadd.f32 v4, v0;
	v4 =	vld [tilespmem:s21+$0x0]  }
.Ltmp3:
0x124: {  	v2 =	vadd.f32 v3, v2;
	v3 =	vadd.f32 v5, v1;
	v1 =	vld [tilespmem:s22+$0x0];
	(pc) =	sbr.rel @p0 .LBB2_7-.Ltmp3, $4  }
0x125: {  	v8 =	vadd.f32 v8, v0;
	v0 =	vld [tilespmem:s1+$0x0]  }
0x126: {  	v5 =	vadd.f32 v6, v2;
	v2 =	vld [tilespmem:s0+$0x0]  }
0x127: {  	v7 =	vadd.f32 v7, v3;
	v3 =	vld [tilespmem:s2+$0x0]  }
0x128: {  	s5 =	sadd.s32 $0x200, s5;
	s6 =	sadd.s32 $0x40, s6;
	v6 =	vadd.f32 v4, v5;
	v5 =	vadd.f32 v63, v8;
	v4 =	vld [tilespmem:s19+$0x0]  }
0x129: {  	v8 =	vld [tilespmem:s17+$0x0]  }
0x12a: {  	v9 =	vld [tilespmem:s18+$0x0]  }
0x12b: {  	v1 =	vadd.f32 v1, v7;
	v63 =	vld [tilespmem:s16+$0x0]  }
0x12c: {  	v0 =	vadd.f32 v0, v6;
	v2 =	vadd.f32 v2, v5  }
0x12d: {  	v1 =	vadd.f32 v3, v1  }
0x12e: {  	v0 =	vadd.f32 v4, v0;
	v2 =	vadd.f32 v8, v2  }
0x12f: {  	s0 =	sadd.s32 $0x40, s3;
	v1 =	vadd.f32 v9, v1  }
0x130: {  	v0 =	vadd.f32 v63, v0;
	[tilespmem:s0+$0x0] =	vst v2  }
0x131: {  	s28 =	stileid.u32;
	[tilespmem:s13+$0x0] =	vst v1  }
0x132: {  	s29 =	smul.u32 $0x50, s28;
	[tilespmem:s12+$0x0] =	vst v0  }
0x133: {  	s30 =	simm.s32 $0x0;
	s1 =	rddreg [dreg:$0xa]  }
0x134: {  	s2 =	simm.s32 $0xC500;
	s31 =	simm.s32 $0x3;
	s0 =	sadd.s32 s1, s29  }
0x135: {  	[hbm4b:s0+s30] =	stream.linear.scatter [tilespmem:s2], [sflag:$0x3], $0x280, $0x38;
	[tilespmem:$0x11780] =	vst v63  }
0x136: {  	_ =	swait.ge [sflag:s31], $0x280  }
0x137: {  	[sflag:s31] =	ssyncset.done $0x0  }
0x138: {  	[sflag:s31] =	ssyncadd.s32 $0xFFFFFD80  }
0x139: {  	_ =	sfence.sel $0x180000  }
0x13a: {  	[bflag:$0x0] =	sbarrier.arrive $0xFFFF  }
0x13b: {  	_ =	strace $0x90000047  }
0x13c: {  	[bflag:$0x2] =	sbarrier.arrive $0xFFFF  }
0x13d: {  	p0 =	sne.s32 s28, $0x0;
	s0 =	rddreg [dreg:$0x3]  }
0x13e: {  	s0 =	sadd.s32 @!p0 $0x100000, s0  }
0x13f: {  	[sflag:s0] =	ssyncadd.tile.s32 @!p0 $0x1;
	_ =	shalt  }
.Lfunc_end2:
_tile_overlayer_lowered:
.L_overlay_start_2:
0x140: {  	(tag) =	ssettag $0x2  }
0x141: {  	s0 =	rddreg [dreg:$0x0];
	s2 =	stileid.u32  }
0x142: {  	s1 =	rddreg [dreg:$0x1];
	p0 =	sne.s32 s2, $0x0  }
0x143: {  	s3 =	rddreg [dreg:$0x2];
	[bflag:$0x3] =	sbarrier.arrive $0xFFFF;
	s2 =	simm.s32 @!p0 $0x1C03  }
0x144: {  	[timem:s3], [sflag:s2] =	dma.local @!p0 [hbm:s0], s1  }
0x145: {  	s0 =	simm.s32 @!p0 $0x3  }
0x146: {  	_ =	swait.ge @!p0 [sflag:s0], s1  }
0x147: {  	s1 =	ssub.s32 @!p0 $0x0, s1;
	[sflag:s0] =	ssyncset.done @!p0 $0x0  }
0x148: {  	[sflag:s0] =	ssyncadd.s32 @!p0 s1  }
0x149: {  	[bflag:$0x3] =	sbarrier.arrive $0xFFFF  }
0x14a: {  	_ =	shalt  }

</sc_bundles>
